<compile_context>
chip_gen: v7x
topology: tpu7x:2x2x1
jax: 0.10.2.dev20260603
libtpu: 0.0.44.dev20260713+nightly
codegen_flags: <defaults>
</compile_context>

<pallas_src>
import functools

import jax
import jax.numpy as jnp
from jax import lax
from jax.experimental import pallas as pl
from jax.experimental.pallas import tpu as pltpu
from jax.experimental.pallas import tpu_sc as plsc

N = 10000
E = 320000
NC = 2
NS = 16
NPAD = 10240
RPS = NPAD // NS
EPS = E // NS
CHUNK = 80
DEGW = 16

_VMESH = plsc.VectorSubcoreMesh(core_axis_name="c", subcore_axis_name="s")


def _make_sc_agg(D):
  out_types = [jax.ShapeDtypeStruct((2 * NPAD, D), jnp.float32)]
  scratch = [
      pltpu.VMEM((CHUNK,), jnp.int32),
      pltpu.VMEM((CHUNK,), jnp.int32),
      pltpu.VMEM((CHUNK,), jnp.int32),
      pltpu.VMEM((CHUNK,), jnp.int32),
      pltpu.VMEM((CHUNK,), jnp.int32),
      pltpu.VMEM((CHUNK, D), jnp.float32),
      pltpu.VMEM((CHUNK, D), jnp.float32),
      pltpu.VMEM_SHARED((NPAD, D), jnp.float32),
      pltpu.SemaphoreType.DMA,
      pltpu.SemaphoreType.DMA,
      pltpu.SemaphoreType.DMA,
      pltpu.SemaphoreType.DMA,
  ]

  @functools.partial(pl.kernel, mesh=_VMESH, out_type=out_types,
                     scratch_types=scratch)
  def agg(x_cat, s_cat, d_cat, zrow, rowidx, out,
          idx_sa, idx_da, idx_sb, idx_db, idx_r, rows_a, rows_b,
          acc_sh, sem_ga, sem_gb, sem_aa, sem_ab):
    cid = lax.axis_index("c")
    sid = lax.axis_index("s")
    r0 = sid * RPS
    ob = cid * NPAD
    eb = cid * E

    pltpu.sync_copy(zrow, rows_a)

    @pl.loop(0, RPS, step=CHUNK)
    def _(j):
      pltpu.sync_copy(rowidx.at[pl.ds(r0 + j, CHUNK)], idx_r)
      pltpu.sync_copy(rows_a, acc_sh.at[idx_r])

    plsc.subcore_barrier()

    eb0 = eb + sid * EPS
    pltpu.sync_copy(s_cat.at[pl.ds(eb0, CHUNK)], idx_sa)
    pltpu.sync_copy(d_cat.at[pl.ds(eb0, CHUNK)], idx_da)
    pltpu.async_copy(x_cat.at[idx_sa], rows_a, sem_ga)
    b0 = eb0 + CHUNK
    pltpu.sync_copy(s_cat.at[pl.ds(b0, CHUNK)], idx_sb)
    pltpu.sync_copy(d_cat.at[pl.ds(b0, CHUNK)], idx_db)
    pltpu.async_copy(x_cat.at[idx_sb], rows_b, sem_gb)

    @pl.loop(0, EPS, step=2 * CHUNK)
    def _(e0):
      pltpu.make_async_copy(x_cat.at[idx_sa], rows_a, sem_ga).wait()
      pltpu.async_copy(rows_a, acc_sh.at[idx_da], sem_aa, add=True)

      pltpu.make_async_copy(x_cat.at[idx_sb], rows_b, sem_gb).wait()
      pltpu.async_copy(rows_b, acc_sh.at[idx_db], sem_ab, add=True)

      nxt_a = e0 + 2 * CHUNK
      a_base = eb0 + jnp.where(nxt_a < EPS, nxt_a, 0)
      pltpu.make_async_copy(rows_a, acc_sh.at[idx_da], sem_aa).wait()
      pltpu.sync_copy(s_cat.at[pl.ds(a_base, CHUNK)], idx_sa)
      pltpu.sync_copy(d_cat.at[pl.ds(a_base, CHUNK)], idx_da)
      pltpu.async_copy(x_cat.at[idx_sa], rows_a, sem_ga)

      nxt_b = e0 + 3 * CHUNK
      b_base = eb0 + jnp.where(nxt_b < EPS, nxt_b, 0)
      pltpu.make_async_copy(rows_b, acc_sh.at[idx_db], sem_ab).wait()
      pltpu.sync_copy(s_cat.at[pl.ds(b_base, CHUNK)], idx_sb)
      pltpu.sync_copy(d_cat.at[pl.ds(b_base, CHUNK)], idx_db)
      pltpu.async_copy(x_cat.at[idx_sb], rows_b, sem_gb)

    pltpu.make_async_copy(x_cat.at[idx_sa], rows_a, sem_ga).wait()
    pltpu.make_async_copy(x_cat.at[idx_sb], rows_b, sem_gb).wait()

    plsc.subcore_barrier()

    @pl.loop(0, RPS, step=CHUNK)
    def _(j):
      pltpu.sync_copy(rowidx.at[pl.ds(r0 + j, CHUNK)], idx_r)
      pltpu.sync_copy(acc_sh.at[idx_r], rows_a)
      pltpu.sync_copy(rows_a, out.at[pl.ds(ob + r0 + j, CHUNK)])

  return agg


def _make_sc_deg():
  scratch = [
      pltpu.VMEM((CHUNK,), jnp.int32),
      pltpu.VMEM((CHUNK,), jnp.int32),
      pltpu.VMEM((CHUNK,), jnp.int32),
      pltpu.VMEM((CHUNK, 128), jnp.float32),
      pltpu.VMEM_SHARED((NPAD, 128), jnp.float32),
      pltpu.SemaphoreType.DMA,
      pltpu.SemaphoreType.DMA,
  ]

  @functools.partial(
      pl.kernel, mesh=_VMESH,
      out_type=[jax.ShapeDtypeStruct((2 * NPAD, 128), jnp.float32)],
      scratch_types=scratch)
  def deg(d_cat, zrow, ones_hbm, rowidx, out,
          idx_da, idx_db, idx_r, buf_v, cnt_sh, sem_a, sem_b):
    cid = lax.axis_index("c")
    sid = lax.axis_index("s")
    r0 = sid * RPS
    ob = cid * NPAD
    eb = cid * E

    pltpu.sync_copy(zrow, buf_v)

    @pl.loop(0, RPS, step=CHUNK)
    def _(j):
      pltpu.sync_copy(rowidx.at[pl.ds(r0 + j, CHUNK)], idx_r)
      pltpu.sync_copy(buf_v, cnt_sh.at[idx_r])

    pltpu.sync_copy(ones_hbm, buf_v)
    plsc.subcore_barrier()

    eb0 = eb + sid * EPS
    pltpu.sync_copy(d_cat.at[pl.ds(eb0, CHUNK)], idx_da)

    @pl.loop(0, EPS, step=2 * CHUNK)
    def _(e0):
      pltpu.async_copy(buf_v, cnt_sh.at[idx_da], sem_a, add=True)
      pltpu.sync_copy(d_cat.at[pl.ds(eb0 + e0 + CHUNK, CHUNK)], idx_db)
      pltpu.make_async_copy(buf_v, cnt_sh.at[idx_da], sem_a).wait()
      pltpu.async_copy(buf_v, cnt_sh.at[idx_db], sem_b, add=True)
      nxt = e0 + 2 * CHUNK
      a_base = eb0 + jnp.where(nxt < EPS, nxt, 0)
      pltpu.sync_copy(d_cat.at[pl.ds(a_base, CHUNK)], idx_da)
      pltpu.make_async_copy(buf_v, cnt_sh.at[idx_db], sem_b).wait()

    plsc.subcore_barrier()

    @pl.loop(0, RPS, step=CHUNK)
    def _(j):
      pltpu.sync_copy(rowidx.at[pl.ds(r0 + j, CHUNK)], idx_r)
      pltpu.sync_copy(cnt_sh.at[idx_r], buf_v)
      pltpu.sync_copy(buf_v, out.at[pl.ds(ob + r0 + j, CHUNK)])

  return deg


_sc_agg = _make_sc_agg(128)
_sc_deg = _make_sc_deg()

RB = 2000


def _l1_body(x_ref, agg_ref, deg_ref, w1s_ref, w1n_ref, b1_ref, w2n_ref,
             h_ref, p_ref):
  deg = deg_ref[:, 0:1]
  inv = 1.0 / jnp.maximum(deg, 1.0)
  mean = agg_ref[...] * inv
  h = jnp.dot(x_ref[...], w1s_ref[...], preferred_element_type=jnp.float32)
  h += jnp.dot(mean, w1n_ref[...], preferred_element_type=jnp.float32)
  h = jnp.maximum(h + b1_ref[...], 0.0)
  h_ref[...] = h
  p_ref[...] = jnp.dot(h, w2n_ref[...], preferred_element_type=jnp.float32)


def _tc_layer1(x, agg, deg, W1s, W1n, b1, W2n):
  hid = W1s.shape[1]
  emb = W2n.shape[1]
  d = x.shape[1]
  return pl.pallas_call(
      _l1_body,
      grid=(N // RB,),
      in_specs=[
          pl.BlockSpec((RB, d), lambda i: (i, 0)),
          pl.BlockSpec((RB, d), lambda i: (i, 0)),
          pl.BlockSpec((RB, DEGW), lambda i: (i, 0)),
          pl.BlockSpec((d, hid), lambda i: (0, 0)),
          pl.BlockSpec((d, hid), lambda i: (0, 0)),
          pl.BlockSpec((1, hid), lambda i: (0, 0)),
          pl.BlockSpec((hid, emb), lambda i: (0, 0)),
      ],
      out_specs=[
          pl.BlockSpec((RB, hid), lambda i: (i, 0)),
          pl.BlockSpec((RB, emb), lambda i: (i, 0)),
      ],
      out_shape=[
          jax.ShapeDtypeStruct((N, hid), jnp.float32),
          jax.ShapeDtypeStruct((N, emb), jnp.float32),
      ],
  )(x, agg, deg, W1s, W1n, b1, W2n)


def _l2_body(hu_ref, a2u_ref, degu_ref, uw2s_ref, ub2_ref,
             hi_ref, a2i_ref, degi_ref, iw2s_ref, ib2_ref,
             hw1u_ref, hw1i_ref, hb1_ref, hw2_ref, hb2_ref, out_ref):
  invu = 1.0 / jnp.maximum(degu_ref[:, 0:1], 1.0)
  invi = 1.0 / jnp.maximum(degi_ref[:, 0:1], 1.0)
  embu = (jnp.dot(hu_ref[...], uw2s_ref[...],
                  preferred_element_type=jnp.float32)
          + a2u_ref[...] * invu + ub2_ref[...])
  embi = (jnp.dot(hi_ref[...], iw2s_ref[...],
                  preferred_element_type=jnp.float32)
          + a2i_ref[...] * invi + ib2_ref[...])
  hid = jnp.dot(embu, hw1u_ref[...], preferred_element_type=jnp.float32)
  hid += jnp.dot(embi, hw1i_ref[...], preferred_element_type=jnp.float32)
  hid = jnp.maximum(hid + hb1_ref[...], 0.0)
  s = jnp.sum(hid * hw2_ref[...], axis=1, keepdims=True) + hb2_ref[...]
  out_ref[...] = jax.nn.sigmoid(s)


def _tc_layer2_head(hu, a2u, degu, uW2s, ub2, hi, a2i, degi, iW2s, ib2,
                    hW1u, hW1i, hb1, hW2r, hb2):
  hid = hu.shape[1]
  emb = uW2s.shape[1]
  hh = hW1u.shape[1]
  return pl.pallas_call(
      _l2_body,
      grid=(N // RB,),
      in_specs=[
          pl.BlockSpec((RB, hid), lambda i: (i, 0)),
          pl.BlockSpec((RB, emb), lambda i: (i, 0)),
          pl.BlockSpec((RB, DEGW), lambda i: (i, 0)),
          pl.BlockSpec((hid, emb), lambda i: (0, 0)),
          pl.BlockSpec((1, emb), lambda i: (0, 0)),
          pl.BlockSpec((RB, hid), lambda i: (i, 0)),
          pl.BlockSpec((RB, emb), lambda i: (i, 0)),
          pl.BlockSpec((RB, DEGW), lambda i: (i, 0)),
          pl.BlockSpec((hid, emb), lambda i: (0, 0)),
          pl.BlockSpec((1, emb), lambda i: (0, 0)),
          pl.BlockSpec((emb, hh), lambda i: (0, 0)),
          pl.BlockSpec((emb, hh), lambda i: (0, 0)),
          pl.BlockSpec((1, hh), lambda i: (0, 0)),
          pl.BlockSpec((1, hh), lambda i: (0, 0)),
          pl.BlockSpec((1, 1), lambda i: (0, 0)),
      ],
      out_specs=pl.BlockSpec((RB, 1), lambda i: (i, 0)),
      out_shape=jax.ShapeDtypeStruct((N, 1), jnp.float32),
  )(hu, a2u, degu, uW2s, ub2, hi, a2i, degi, iW2s, ib2,
    hW1u, hW1i, hb1, hW2r, hb2)


def kernel(user_x, item_x, user_edge_index, item_edge_index,
           u_W1s, u_W1n, u_b1, u_W2s, u_W2n, u_b2,
           i_W1s, i_W1n, i_b1, i_W2s, i_W2n, i_b2,
           h_W1, h_b1, h_W2, h_b2):
  su, du = user_edge_index[0], user_edge_index[1]
  si, di = item_edge_index[0], item_edge_index[1]
  z128 = jnp.zeros((CHUNK, 128), jnp.float32)
  ones = jnp.ones((CHUNK, 128), jnp.float32)
  rowidx = jnp.arange(NPAD, dtype=jnp.int32)

  x_cat = jnp.concatenate([user_x, item_x], axis=0)
  s1_cat = jnp.concatenate([su, si + N])
  s2_cat = jnp.concatenate([su, si])
  d_cat = jnp.concatenate([du, di])

  deg = _sc_deg(d_cat, z128, ones, rowidx)
  if isinstance(deg, (list, tuple)):
    deg = deg[0]
  agg1 = _sc_agg(x_cat, s1_cat, d_cat, z128, rowidx)
  if isinstance(agg1, (list, tuple)):
    agg1 = agg1[0]
  agg1u, agg1i = agg1[:N], agg1[NPAD:NPAD + N]
  degu_n = deg[:N, :DEGW]
  degi_n = deg[NPAD:NPAD + N, :DEGW]

  hu, pu = _tc_layer1(user_x, agg1u, degu_n, u_W1s, u_W1n,
                      u_b1.reshape(1, -1), u_W2n)
  hi, pi = _tc_layer1(item_x, agg1i, degi_n, i_W1s, i_W1n,
                      i_b1.reshape(1, -1), i_W2n)

  p_cat = jnp.concatenate([pu, pi], axis=1)
  agg2 = _sc_agg(p_cat, s2_cat, d_cat, z128, rowidx)
  if isinstance(agg2, (list, tuple)):
    agg2 = agg2[0]
  agg2u = agg2[:N, :64]
  agg2i = agg2[NPAD:NPAD + N, 64:]

  scores = _tc_layer2_head(
      hu, agg2u, degu_n, u_W2s, u_b2.reshape(1, -1),
      hi, agg2i, degi_n, i_W2s, i_b2.reshape(1, -1),
      h_W1[:64], h_W1[64:], h_b1.reshape(1, -1),
      h_W2.reshape(1, -1), h_b2.reshape(1, 1))
  return scores.reshape(N)

# --- scband reference (transcript-rebuilt; emitter-appended) ---
"""Pipeline reference for scband-recommendation-model-90512140796768 (READ-ONLY COPY).

The authoritative reference and input builder live on the scoring server;
editing this copy changes nothing except your own understanding.
"""

import jax, jax.numpy as jnp
import numpy as np

N = 10000
E = 320000
USER_DIM = 128
ITEM_DIM = 128
HIDDEN = 256
EMBED = 64


def setup_inputs(seed: int = 0) -> dict:
    key = jax.random.key(seed)
    ks = jax.random.split(key, 24)
    s = 0.05
    inp = {}
    inp['user_x'] = jax.random.normal(ks[0], (N, USER_DIM), dtype=jnp.float32)
    inp['item_x'] = jax.random.normal(ks[1], (N, ITEM_DIM), dtype=jnp.float32)
    inp['user_edge_index'] = jax.random.randint(ks[2], (2, E), 0, N, dtype=jnp.int32)
    inp['item_edge_index'] = jax.random.randint(ks[3], (2, E), 0, N, dtype=jnp.int32)
    # user GraphSAGE encoder params (2 SAGEConv layers: self + neigh weights)
    inp['u_W1s'] = jax.random.normal(ks[4], (USER_DIM, HIDDEN), dtype=jnp.float32) * s
    inp['u_W1n'] = jax.random.normal(ks[5], (USER_DIM, HIDDEN), dtype=jnp.float32) * s
    inp['u_b1'] = jnp.zeros((HIDDEN,), dtype=jnp.float32)
    inp['u_W2s'] = jax.random.normal(ks[6], (HIDDEN, EMBED), dtype=jnp.float32) * s
    inp['u_W2n'] = jax.random.normal(ks[7], (HIDDEN, EMBED), dtype=jnp.float32) * s
    inp['u_b2'] = jnp.zeros((EMBED,), dtype=jnp.float32)
    # item GraphSAGE encoder params
    inp['i_W1s'] = jax.random.normal(ks[8], (ITEM_DIM, HIDDEN), dtype=jnp.float32) * s
    inp['i_W1n'] = jax.random.normal(ks[9], (ITEM_DIM, HIDDEN), dtype=jnp.float32) * s
    inp['i_b1'] = jnp.zeros((HIDDEN,), dtype=jnp.float32)
    inp['i_W2s'] = jax.random.normal(ks[10], (HIDDEN, EMBED), dtype=jnp.float32) * s
    inp['i_W2n'] = jax.random.normal(ks[11], (HIDDEN, EMBED), dtype=jnp.float32) * s
    inp['i_b2'] = jnp.zeros((EMBED,), dtype=jnp.float32)
    # scoring head params
    inp['h_W1'] = jax.random.normal(ks[12], (2 * EMBED, HIDDEN), dtype=jnp.float32) * s
    inp['h_b1'] = jnp.zeros((HIDDEN,), dtype=jnp.float32)
    inp['h_W2'] = jax.random.normal(ks[13], (HIDDEN, 1), dtype=jnp.float32) * s
    inp['h_b2'] = jnp.zeros((1,), dtype=jnp.float32)
    return inp


def _sage_conv(x, edge_index, Ws, Wn, b):
    src = edge_index[0]
    dst = edge_index[1]
    msgs = jnp.take(x, src, axis=0)
    agg = jax.ops.segment_sum(msgs, dst, num_segments=x.shape[0])
    deg = jax.ops.segment_sum(jnp.ones((edge_index.shape[1],), dtype=x.dtype), dst, num_segments=x.shape[0])
    mean = agg / jnp.clip(deg, 1.0)[:, None]
    return x @ Ws + mean @ Wn + b


def _graphsage(x, ei, W1s, W1n, b1, W2s, W2n, b2):
    h = jax.nn.relu(_sage_conv(x, ei, W1s, W1n, b1))
    # dropout = 0.0 (eval mode): identity
    return _sage_conv(h, ei, W2s, W2n, b2)


def reference(user_x, item_x, user_edge_index, item_edge_index,
              u_W1s, u_W1n, u_b1, u_W2s, u_W2n, u_b2,
              i_W1s, i_W1n, i_b1, i_W2s, i_W2n, i_b2,
              h_W1, h_b1, h_W2, h_b2):
    user_emb = _graphsage(user_x, user_edge_index, u_W1s, u_W1n, u_b1, u_W2s, u_W2n, u_b2)
    item_emb = _graphsage(item_x, item_edge_index, i_W1s, i_W1n, i_b1, i_W2s, i_W2n, i_b2)
    combined = jnp.concatenate([user_emb, item_emb], axis=-1)
    hidden = jax.nn.relu(combined @ h_W1 + h_b1)
    scores = jax.nn.sigmoid(hidden @ h_W2 + h_b2)
    return jnp.squeeze(scores)

if __name__ == "__main__":
    import jax
    _d = setup_inputs()
    print(jax.jit(kernel)(*tuple(_d.values())))

</pallas_src>

<mosaic_0001>
#map = affine_map<(d0, d1) -> (0, 0)>
#map1 = affine_map<(d0, d1) -> (0)>
module attributes {stable_mosaic.version = 14 : i64} {
  func.func @agg(%arg0: i32, %arg1: i32, %arg2: memref<10000x128xf32, #tpu.memory_space<hbm>>, %arg3: memref<640000xi32, #tpu.memory_space<hbm>>, %arg4: memref<640000xi32, #tpu.memory_space<hbm>>, %arg5: memref<80x128xf32, #tpu.memory_space<hbm>>, %arg6: memref<10240xi32, #tpu.memory_space<hbm>>, %arg7: memref<20480x128xf32, #tpu.memory_space<hbm>>, %arg8: memref<80xi32, #tpu.memory_space<vmem>>, %arg9: memref<80xi32, #tpu.memory_space<vmem>>, %arg10: memref<80xi32, #tpu.memory_space<vmem>>, %arg11: memref<80xi32, #tpu.memory_space<vmem>>, %arg12: memref<80xi32, #tpu.memory_space<vmem>>, %arg13: memref<80x128xf32, #tpu.memory_space<vmem>>, %arg14: memref<80x128xf32, #tpu.memory_space<vmem>>, %arg15: memref<10240x128xf32, #tpu.memory_space<vmem_shared>>, %arg16: memref<!tpu.dma_semaphore, #tpu.memory_space<semaphore_mem>>, %arg17: memref<!tpu.dma_semaphore, #tpu.memory_space<semaphore_mem>>, %arg18: memref<!tpu.dma_semaphore, #tpu.memory_space<semaphore_mem>>, %arg19: memref<!tpu.dma_semaphore, #tpu.memory_space<semaphore_mem>>) attributes {dimension_semantics = [#tpu.dimension_semantics<core_parallel>, #tpu.dimension_semantics<subcore_parallel>], iteration_bounds = array<i64: 2, 16>, scalar_prefetch = 0 : i64, scratch_operands = 12 : i64, tpu.core_type = #tpu.core_type<sc_vector_subcore>, window_params = [{transform_indices = #map}, {transform_indices = #map1}, {transform_indices = #map1}, {transform_indices = #map}, {transform_indices = #map1}, {transform_indices = #map}]} {
    %mul3A = arith.constant 640 : i32
    %mul3A_0 = arith.muli %arg1, %mul3A : i32
    %mul3A_1 = arith.constant 10240 : i32
    %mul3A_2 = arith.muli %arg0, %mul3A_1 : i32
    %mul3A_3 = arith.constant 320000 : i32
    %mul3A_4 = arith.muli %arg0, %mul3A_3 : i32
    "tpu.region"() ({
      %run_scoped3A = tpu.sem_alloc : memref<!tpu.dma_semaphore, #tpu.memory_space<semaphore_mem>>
      tpu.enqueue_dma source(%arg5 : memref<80x128xf32, #tpu.memory_space<hbm>>) target(%arg13 : memref<80x128xf32, #tpu.memory_space<vmem>>) target_semaphore(%run_scoped3A : memref<!tpu.dma_semaphore, #tpu.memory_space<semaphore_mem>>)
      tpu.wait_dma2 semaphore(%run_scoped3A : memref<!tpu.dma_semaphore, #tpu.memory_space<semaphore_mem>>) src(%arg5 : memref<80x128xf32, #tpu.memory_space<hbm>>) dst(%arg13 : memref<80x128xf32, #tpu.memory_space<vmem>>)
      tpu.yield
    }) : () -> ()
    %scan3A = arith.constant 0 : i32
    %scan3A_5 = arith.constant 8 : i32
    %scan3A_6 = arith.addi %scan3A, %scan3A_5 : i32
    %scan3A_7 = arith.constant 1 : i32
    scf.for %scan3A_34 = %scan3A to %scan3A_6 step %scan3A_7  : i32 {
      %mul3A_35 = arith.constant 80 : i32
      %mul3A_36 = arith.muli %scan3A_34, %mul3A_35 : i32
      %add3A_37 = arith.constant 0 : i32
      %add3A_38 = arith.addi %add3A_37, %mul3A_36 : i32
      %add3A_39 = arith.addi %mul3A_0, %add3A_38 : i32
      "tpu.region"() ({
        %run_scoped3A = tpu.sem_alloc : memref<!tpu.dma_semaphore, #tpu.memory_space<semaphore_mem>>
        %dma_start3A_40 = tpu.memref_slice %arg6[%add3A_39] : memref<10240xi32, #tpu.memory_space<hbm>> -> memref<80xi32, #tpu.memory_space<hbm>>
        %dma_start3A_41 = tpu.memref_slice %arg6[%add3A_39] : memref<10240xi32, #tpu.memory_space<hbm>> -> memref<80xi32, #tpu.memory_space<hbm>>
        tpu.enqueue_dma source(%dma_start3A_41 : memref<80xi32, #tpu.memory_space<hbm>>) target(%arg12 : memref<80xi32, #tpu.memory_space<vmem>>) target_semaphore(%run_scoped3A : memref<!tpu.dma_semaphore, #tpu.memory_space<semaphore_mem>>)
        %dma_wait3A_42 = tpu.memref_slice %arg6[%add3A_39] : memref<10240xi32, #tpu.memory_space<hbm>> -> memref<80xi32, #tpu.memory_space<hbm>>
        %dma_wait3A_43 = tpu.memref_slice %arg6[%add3A_39] : memref<10240xi32, #tpu.memory_space<hbm>> -> memref<80xi32, #tpu.memory_space<hbm>>
        tpu.wait_dma2 semaphore(%run_scoped3A : memref<!tpu.dma_semaphore, #tpu.memory_space<semaphore_mem>>) src(%dma_wait3A_43 : memref<80xi32, #tpu.memory_space<hbm>>) dst(%arg12 : memref<80xi32, #tpu.memory_space<vmem>>)
        tpu.yield
      }) : () -> ()
      "tpu.region"() ({
        %run_scoped3A = tpu.sem_alloc : memref<!tpu.dma_semaphore, #tpu.memory_space<semaphore_mem>>
        %dma_start3A_40 = arith.constant 0 : i32
        %dma_start3A_41 = arith.constant 0 : i32
        %dma_start3A_42 = tpu.memref_slice %arg15[%dma_start3A_40, %dma_start3A_41] : memref<10240x128xf32, #tpu.memory_space<vmem_shared>> -> memref<10240x128xf32, #tpu.memory_space<vmem_shared>>
        tpu.enqueue_indirect_dma source(%arg13 : memref<80x128xf32, #tpu.memory_space<vmem>>) target(%dma_start3A_42 : memref<10240x128xf32, #tpu.memory_space<vmem_shared>>) offsets(%arg12 : memref<80xi32, #tpu.memory_space<vmem>>) semaphore(%run_scoped3A : memref<!tpu.dma_semaphore, #tpu.memory_space<semaphore_mem>>)
        %dma_wait3A_43 = arith.constant 0 : i32
        %dma_wait3A_44 = arith.constant 0 : i32
        %dma_wait3A_45 = tpu.memref_slice %arg15[%dma_wait3A_43, %dma_wait3A_44] : memref<10240x128xf32, #tpu.memory_space<vmem_shared>> -> memref<10240x128xf32, #tpu.memory_space<vmem_shared>>
        tpu.wait_indirect_dma semaphore(%run_scoped3A : memref<!tpu.dma_semaphore, #tpu.memory_space<semaphore_mem>>) src(%arg13 : memref<80x128xf32, #tpu.memory_space<vmem>>) dst(%dma_wait3A_45 : memref<10240x128xf32, #tpu.memory_space<vmem_shared>>)
        tpu.yield
      }) : () -> ()
    }
    %scan3A_8 = arith.constant 8 : i32
    %barrier3A = arith.constant 0 : index
    tpu.barrier barrier_id(%barrier3A)
    %mul3A_9 = arith.constant 20000 : i32
    %mul3A_10 = arith.muli %arg1, %mul3A_9 : i32
    %add3A = arith.addi %mul3A_4, %mul3A_10 : i32
    "tpu.region"() ({
      %run_scoped3A = tpu.sem_alloc : memref<!tpu.dma_semaphore, #tpu.memory_space<semaphore_mem>>
      %dma_start3A_34 = tpu.memref_slice %arg3[%add3A] : memref<640000xi32, #tpu.memory_space<hbm>> -> memref<80xi32, #tpu.memory_space<hbm>>
      %dma_start3A_35 = tpu.memref_slice %arg3[%add3A] : memref<640000xi32, #tpu.memory_space<hbm>> -> memref<80xi32, #tpu.memory_space<hbm>>
      tpu.enqueue_dma source(%dma_start3A_35 : memref<80xi32, #tpu.memory_space<hbm>>) target(%arg8 : memref<80xi32, #tpu.memory_space<vmem>>) target_semaphore(%run_scoped3A : memref<!tpu.dma_semaphore, #tpu.memory_space<semaphore_mem>>)
      %dma_wait3A_36 = tpu.memref_slice %arg3[%add3A] : memref<640000xi32, #tpu.memory_space<hbm>> -> memref<80xi32, #tpu.memory_space<hbm>>
      %dma_wait3A_37 = tpu.memref_slice %arg3[%add3A] : memref<640000xi32, #tpu.memory_space<hbm>> -> memref<80xi32, #tpu.memory_space<hbm>>
      tpu.wait_dma2 semaphore(%run_scoped3A : memref<!tpu.dma_semaphore, #tpu.memory_space<semaphore_mem>>) src(%dma_wait3A_37 : memref<80xi32, #tpu.memory_space<hbm>>) dst(%arg8 : memref<80xi32, #tpu.memory_space<vmem>>)
      tpu.yield
    }) : () -> ()
    "tpu.region"() ({
      %run_scoped3A = tpu.sem_alloc : memref<!tpu.dma_semaphore, #tpu.memory_space<semaphore_mem>>
      %dma_start3A_34 = tpu.memref_slice %arg4[%add3A] : memref<640000xi32, #tpu.memory_space<hbm>> -> memref<80xi32, #tpu.memory_space<hbm>>
      %dma_start3A_35 = tpu.memref_slice %arg4[%add3A] : memref<640000xi32, #tpu.memory_space<hbm>> -> memref<80xi32, #tpu.memory_space<hbm>>
      tpu.enqueue_dma source(%dma_start3A_35 : memref<80xi32, #tpu.memory_space<hbm>>) target(%arg9 : memref<80xi32, #tpu.memory_space<vmem>>) target_semaphore(%run_scoped3A : memref<!tpu.dma_semaphore, #tpu.memory_space<semaphore_mem>>)
      %dma_wait3A_36 = tpu.memref_slice %arg4[%add3A] : memref<640000xi32, #tpu.memory_space<hbm>> -> memref<80xi32, #tpu.memory_space<hbm>>
      %dma_wait3A_37 = tpu.memref_slice %arg4[%add3A] : memref<640000xi32, #tpu.memory_space<hbm>> -> memref<80xi32, #tpu.memory_space<hbm>>
      tpu.wait_dma2 semaphore(%run_scoped3A : memref<!tpu.dma_semaphore, #tpu.memory_space<semaphore_mem>>) src(%dma_wait3A_37 : memref<80xi32, #tpu.memory_space<hbm>>) dst(%arg9 : memref<80xi32, #tpu.memory_space<vmem>>)
      tpu.yield
    }) : () -> ()
    %dma_start3A = arith.constant 0 : i32
    %dma_start3A_11 = arith.constant 0 : i32
    %dma_start3A_12 = tpu.memref_slice %arg2[%dma_start3A, %dma_start3A_11] : memref<10000x128xf32, #tpu.memory_space<hbm>> -> memref<10000x128xf32, #tpu.memory_space<hbm>>
    tpu.enqueue_indirect_dma source(%dma_start3A_12 : memref<10000x128xf32, #tpu.memory_space<hbm>>) target(%arg13 : memref<80x128xf32, #tpu.memory_space<vmem>>) offsets(%arg8 : memref<80xi32, #tpu.memory_space<vmem>>) semaphore(%arg16 : memref<!tpu.dma_semaphore, #tpu.memory_space<semaphore_mem>>)
    %add3A_13 = arith.constant 80 : i32
    %add3A_14 = arith.addi %add3A, %add3A_13 : i32
    "tpu.region"() ({
      %run_scoped3A = tpu.sem_alloc : memref<!tpu.dma_semaphore, #tpu.memory_space<semaphore_mem>>
      %dma_start3A_34 = tpu.memref_slice %arg3[%add3A_14] : memref<640000xi32, #tpu.memory_space<hbm>> -> memref<80xi32, #tpu.memory_space<hbm>>
      %dma_start3A_35 = tpu.memref_slice %arg3[%add3A_14] : memref<640000xi32, #tpu.memory_space<hbm>> -> memref<80xi32, #tpu.memory_space<hbm>>
      tpu.enqueue_dma source(%dma_start3A_35 : memref<80xi32, #tpu.memory_space<hbm>>) target(%arg10 : memref<80xi32, #tpu.memory_space<vmem>>) target_semaphore(%run_scoped3A : memref<!tpu.dma_semaphore, #tpu.memory_space<semaphore_mem>>)
      %dma_wait3A_36 = tpu.memref_slice %arg3[%add3A_14] : memref<640000xi32, #tpu.memory_space<hbm>> -> memref<80xi32, #tpu.memory_space<hbm>>
      %dma_wait3A_37 = tpu.memref_slice %arg3[%add3A_14] : memref<640000xi32, #tpu.memory_space<hbm>> -> memref<80xi32, #tpu.memory_space<hbm>>
      tpu.wait_dma2 semaphore(%run_scoped3A : memref<!tpu.dma_semaphore, #tpu.memory_space<semaphore_mem>>) src(%dma_wait3A_37 : memref<80xi32, #tpu.memory_space<hbm>>) dst(%arg10 : memref<80xi32, #tpu.memory_space<vmem>>)
      tpu.yield
    }) : () -> ()
    "tpu.region"() ({
      %run_scoped3A = tpu.sem_alloc : memref<!tpu.dma_semaphore, #tpu.memory_space<semaphore_mem>>
      %dma_start3A_34 = tpu.memref_slice %arg4[%add3A_14] : memref<640000xi32, #tpu.memory_space<hbm>> -> memref<80xi32, #tpu.memory_space<hbm>>
      %dma_start3A_35 = tpu.memref_slice %arg4[%add3A_14] : memref<640000xi32, #tpu.memory_space<hbm>> -> memref<80xi32, #tpu.memory_space<hbm>>
      tpu.enqueue_dma source(%dma_start3A_35 : memref<80xi32, #tpu.memory_space<hbm>>) target(%arg11 : memref<80xi32, #tpu.memory_space<vmem>>) target_semaphore(%run_scoped3A : memref<!tpu.dma_semaphore, #tpu.memory_space<semaphore_mem>>)
      %dma_wait3A_36 = tpu.memref_slice %arg4[%add3A_14] : memref<640000xi32, #tpu.memory_space<hbm>> -> memref<80xi32, #tpu.memory_space<hbm>>
      %dma_wait3A_37 = tpu.memref_slice %arg4[%add3A_14] : memref<640000xi32, #tpu.memory_space<hbm>> -> memref<80xi32, #tpu.memory_space<hbm>>
      tpu.wait_dma2 semaphore(%run_scoped3A : memref<!tpu.dma_semaphore, #tpu.memory_space<semaphore_mem>>) src(%dma_wait3A_37 : memref<80xi32, #tpu.memory_space<hbm>>) dst(%arg11 : memref<80xi32, #tpu.memory_space<vmem>>)
      tpu.yield
    }) : () -> ()
    %dma_start3A_15 = arith.constant 0 : i32
    %dma_start3A_16 = arith.constant 0 : i32
    %dma_start3A_17 = tpu.memref_slice %arg2[%dma_start3A_15, %dma_start3A_16] : memref<10000x128xf32, #tpu.memory_space<hbm>> -> memref<10000x128xf32, #tpu.memory_space<hbm>>
    tpu.enqueue_indirect_dma source(%dma_start3A_17 : memref<10000x128xf32, #tpu.memory_space<hbm>>) target(%arg14 : memref<80x128xf32, #tpu.memory_space<vmem>>) offsets(%arg10 : memref<80xi32, #tpu.memory_space<vmem>>) semaphore(%arg17 : memref<!tpu.dma_semaphore, #tpu.memory_space<semaphore_mem>>)
    %scan3A_18 = arith.constant 0 : i32
    %scan3A_19 = arith.constant 125 : i32
    %scan3A_20 = arith.addi %scan3A_18, %scan3A_19 : i32
    %scan3A_21 = arith.constant 1 : i32
    scf.for %scan3A_34 = %scan3A_18 to %scan3A_20 step %scan3A_21  : i32 {
      %mul3A_35 = arith.constant 160 : i32
      %mul3A_36 = arith.muli %scan3A_34, %mul3A_35 : i32
      %add3A_37 = arith.constant 0 : i32
      %add3A_38 = arith.addi %add3A_37, %mul3A_36 : i32
      %dma_wait3A_39 = arith.constant 0 : i32
      %dma_wait3A_40 = arith.constant 0 : i32
      %dma_wait3A_41 = tpu.memref_slice %arg2[%dma_wait3A_39, %dma_wait3A_40] : memref<10000x128xf32, #tpu.memory_space<hbm>> -> memref<10000x128xf32, #tpu.memory_space<hbm>>
      tpu.wait_indirect_dma semaphore(%arg16 : memref<!tpu.dma_semaphore, #tpu.memory_space<semaphore_mem>>) src(%dma_wait3A_41 : memref<10000x128xf32, #tpu.memory_space<hbm>>) dst(%arg13 : memref<80x128xf32, #tpu.memory_space<vmem>>)
      %dma_start3A_42 = arith.constant 0 : i32
      %dma_start3A_43 = arith.constant 0 : i32
      %dma_start3A_44 = tpu.memref_slice %arg15[%dma_start3A_42, %dma_start3A_43] : memref<10240x128xf32, #tpu.memory_space<vmem_shared>> -> memref<10240x128xf32, #tpu.memory_space<vmem_shared>>
      tpu.enqueue_indirect_dma source(%arg13 : memref<80x128xf32, #tpu.memory_space<vmem>>) target(%dma_start3A_44 : memref<10240x128xf32, #tpu.memory_space<vmem_shared>>) offsets(%arg9 : memref<80xi32, #tpu.memory_space<vmem>>) semaphore(%arg18 : memref<!tpu.dma_semaphore, #tpu.memory_space<semaphore_mem>>) {add = true}
      %dma_wait3A_45 = arith.constant 0 : i32
      %dma_wait3A_46 = arith.constant 0 : i32
      %dma_wait3A_47 = tpu.memref_slice %arg2[%dma_wait3A_45, %dma_wait3A_46] : memref<10000x128xf32, #tpu.memory_space<hbm>> -> memref<10000x128xf32, #tpu.memory_space<hbm>>
      tpu.wait_indirect_dma semaphore(%arg17 : memref<!tpu.dma_semaphore, #tpu.memory_space<semaphore_mem>>) src(%dma_wait3A_47 : memref<10000x128xf32, #tpu.memory_space<hbm>>) dst(%arg14 : memref<80x128xf32, #tpu.memory_space<vmem>>)
      %dma_start3A_48 = arith.constant 0 : i32
      %dma_start3A_49 = arith.constant 0 : i32
      %dma_start3A_50 = tpu.memref_slice %arg15[%dma_start3A_48, %dma_start3A_49] : memref<10240x128xf32, #tpu.memory_space<vmem_shared>> -> memref<10240x128xf32, #tpu.memory_space<vmem_shared>>
      tpu.enqueue_indirect_dma source(%arg14 : memref<80x128xf32, #tpu.memory_space<vmem>>) target(%dma_start3A_50 : memref<10240x128xf32, #tpu.memory_space<vmem_shared>>) offsets(%arg11 : memref<80xi32, #tpu.memory_space<vmem>>) semaphore(%arg19 : memref<!tpu.dma_semaphore, #tpu.memory_space<semaphore_mem>>) {add = true}
      %add3A_51 = arith.constant 160 : i32
      %add3A_52 = arith.addi %add3A_38, %add3A_51 : i32
      %lt3A = arith.constant 20000 : i32
      %lt3A_53 = arith.cmpi slt, %add3A_52, %lt3A : i32
      %jit3A = arith.constant 0 : i32
      %select_n3A = arith.select %lt3A_53, %add3A_52, %jit3A : i32
      %add3A_54 = arith.addi %add3A, %select_n3A : i32
      %dma_wait3A_55 = arith.constant 0 : i32
      %dma_wait3A_56 = arith.constant 0 : i32
      %dma_wait3A_57 = tpu.memref_slice %arg15[%dma_wait3A_55, %dma_wait3A_56] : memref<10240x128xf32, #tpu.memory_space<vmem_shared>> -> memref<10240x128xf32, #tpu.memory_space<vmem_shared>>
      tpu.wait_indirect_dma semaphore(%arg18 : memref<!tpu.dma_semaphore, #tpu.memory_space<semaphore_mem>>) src(%arg13 : memref<80x128xf32, #tpu.memory_space<vmem>>) dst(%dma_wait3A_57 : memref<10240x128xf32, #tpu.memory_space<vmem_shared>>)
      "tpu.region"() ({
        %run_scoped3A = tpu.sem_alloc : memref<!tpu.dma_semaphore, #tpu.memory_space<semaphore_mem>>
        %dma_start3A_74 = tpu.memref_slice %arg3[%add3A_54] : memref<640000xi32, #tpu.memory_space<hbm>> -> memref<80xi32, #tpu.memory_space<hbm>>
        %dma_start3A_75 = tpu.memref_slice %arg3[%add3A_54] : memref<640000xi32, #tpu.memory_space<hbm>> -> memref<80xi32, #tpu.memory_space<hbm>>
        tpu.enqueue_dma source(%dma_start3A_75 : memref<80xi32, #tpu.memory_space<hbm>>) target(%arg8 : memref<80xi32, #tpu.memory_space<vmem>>) target_semaphore(%run_scoped3A : memref<!tpu.dma_semaphore, #tpu.memory_space<semaphore_mem>>)
        %dma_wait3A_76 = tpu.memref_slice %arg3[%add3A_54] : memref<640000xi32, #tpu.memory_space<hbm>> -> memref<80xi32, #tpu.memory_space<hbm>>
        %dma_wait3A_77 = tpu.memref_slice %arg3[%add3A_54] : memref<640000xi32, #tpu.memory_space<hbm>> -> memref<80xi32, #tpu.memory_space<hbm>>
        tpu.wait_dma2 semaphore(%run_scoped3A : memref<!tpu.dma_semaphore, #tpu.memory_space<semaphore_mem>>) src(%dma_wait3A_77 : memref<80xi32, #tpu.memory_space<hbm>>) dst(%arg8 : memref<80xi32, #tpu.memory_space<vmem>>)
        tpu.yield
      }) : () -> ()
      "tpu.region"() ({
        %run_scoped3A = tpu.sem_alloc : memref<!tpu.dma_semaphore, #tpu.memory_space<semaphore_mem>>
        %dma_start3A_74 = tpu.memref_slice %arg4[%add3A_54] : memref<640000xi32, #tpu.memory_space<hbm>> -> memref<80xi32, #tpu.memory_space<hbm>>
        %dma_start3A_75 = tpu.memref_slice %arg4[%add3A_54] : memref<640000xi32, #tpu.memory_space<hbm>> -> memref<80xi32, #tpu.memory_space<hbm>>
        tpu.enqueue_dma source(%dma_start3A_75 : memref<80xi32, #tpu.memory_space<hbm>>) target(%arg9 : memref<80xi32, #tpu.memory_space<vmem>>) target_semaphore(%run_scoped3A : memref<!tpu.dma_semaphore, #tpu.memory_space<semaphore_mem>>)
        %dma_wait3A_76 = tpu.memref_slice %arg4[%add3A_54] : memref<640000xi32, #tpu.memory_space<hbm>> -> memref<80xi32, #tpu.memory_space<hbm>>
        %dma_wait3A_77 = tpu.memref_slice %arg4[%add3A_54] : memref<640000xi32, #tpu.memory_space<hbm>> -> memref<80xi32, #tpu.memory_space<hbm>>
        tpu.wait_dma2 semaphore(%run_scoped3A : memref<!tpu.dma_semaphore, #tpu.memory_space<semaphore_mem>>) src(%dma_wait3A_77 : memref<80xi32, #tpu.memory_space<hbm>>) dst(%arg9 : memref<80xi32, #tpu.memory_space<vmem>>)
        tpu.yield
      }) : () -> ()
      %dma_start3A_58 = arith.constant 0 : i32
      %dma_start3A_59 = arith.constant 0 : i32
      %dma_start3A_60 = tpu.memref_slice %arg2[%dma_start3A_58, %dma_start3A_59] : memref<10000x128xf32, #tpu.memory_space<hbm>> -> memref<10000x128xf32, #tpu.memory_space<hbm>>
      tpu.enqueue_indirect_dma source(%dma_start3A_60 : memref<10000x128xf32, #tpu.memory_space<hbm>>) target(%arg13 : memref<80x128xf32, #tpu.memory_space<vmem>>) offsets(%arg8 : memref<80xi32, #tpu.memory_space<vmem>>) semaphore(%arg16 : memref<!tpu.dma_semaphore, #tpu.memory_space<semaphore_mem>>)
      %add3A_61 = arith.constant 240 : i32
      %add3A_62 = arith.addi %add3A_38, %add3A_61 : i32
      %lt3A_63 = arith.constant 20000 : i32
      %lt3A_64 = arith.cmpi slt, %add3A_62, %lt3A_63 : i32
      %jit3A_65 = arith.constant 0 : i32
      %select_n3A_66 = arith.select %lt3A_64, %add3A_62, %jit3A_65 : i32
      %add3A_67 = arith.addi %add3A, %select_n3A_66 : i32
      %dma_wait3A_68 = arith.constant 0 : i32
      %dma_wait3A_69 = arith.constant 0 : i32
      %dma_wait3A_70 = tpu.memref_slice %arg15[%dma_wait3A_68, %dma_wait3A_69] : memref<10240x128xf32, #tpu.memory_space<vmem_shared>> -> memref<10240x128xf32, #tpu.memory_space<vmem_shared>>
      tpu.wait_indirect_dma semaphore(%arg19 : memref<!tpu.dma_semaphore, #tpu.memory_space<semaphore_mem>>) src(%arg14 : memref<80x128xf32, #tpu.memory_space<vmem>>) dst(%dma_wait3A_70 : memref<10240x128xf32, #tpu.memory_space<vmem_shared>>)
      "tpu.region"() ({
        %run_scoped3A = tpu.sem_alloc : memref<!tpu.dma_semaphore, #tpu.memory_space<semaphore_mem>>
        %dma_start3A_74 = tpu.memref_slice %arg3[%add3A_67] : memref<640000xi32, #tpu.memory_space<hbm>> -> memref<80xi32, #tpu.memory_space<hbm>>
        %dma_start3A_75 = tpu.memref_slice %arg3[%add3A_67] : memref<640000xi32, #tpu.memory_space<hbm>> -> memref<80xi32, #tpu.memory_space<hbm>>
        tpu.enqueue_dma source(%dma_start3A_75 : memref<80xi32, #tpu.memory_space<hbm>>) target(%arg10 : memref<80xi32, #tpu.memory_space<vmem>>) target_semaphore(%run_scoped3A : memref<!tpu.dma_semaphore, #tpu.memory_space<semaphore_mem>>)
        %dma_wait3A_76 = tpu.memref_slice %arg3[%add3A_67] : memref<640000xi32, #tpu.memory_space<hbm>> -> memref<80xi32, #tpu.memory_space<hbm>>
        %dma_wait3A_77 = tpu.memref_slice %arg3[%add3A_67] : memref<640000xi32, #tpu.memory_space<hbm>> -> memref<80xi32, #tpu.memory_space<hbm>>
        tpu.wait_dma2 semaphore(%run_scoped3A : memref<!tpu.dma_semaphore, #tpu.memory_space<semaphore_mem>>) src(%dma_wait3A_77 : memref<80xi32, #tpu.memory_space<hbm>>) dst(%arg10 : memref<80xi32, #tpu.memory_space<vmem>>)
        tpu.yield
      }) : () -> ()
      "tpu.region"() ({
        %run_scoped3A = tpu.sem_alloc : memref<!tpu.dma_semaphore, #tpu.memory_space<semaphore_mem>>
        %dma_start3A_74 = tpu.memref_slice %arg4[%add3A_67] : memref<640000xi32, #tpu.memory_space<hbm>> -> memref<80xi32, #tpu.memory_space<hbm>>
        %dma_start3A_75 = tpu.memref_slice %arg4[%add3A_67] : memref<640000xi32, #tpu.memory_space<hbm>> -> memref<80xi32, #tpu.memory_space<hbm>>
        tpu.enqueue_dma source(%dma_start3A_75 : memref<80xi32, #tpu.memory_space<hbm>>) target(%arg11 : memref<80xi32, #tpu.memory_space<vmem>>) target_semaphore(%run_scoped3A : memref<!tpu.dma_semaphore, #tpu.memory_space<semaphore_mem>>)
        %dma_wait3A_76 = tpu.memref_slice %arg4[%add3A_67] : memref<640000xi32, #tpu.memory_space<hbm>> -> memref<80xi32, #tpu.memory_space<hbm>>
        %dma_wait3A_77 = tpu.memref_slice %arg4[%add3A_67] : memref<640000xi32, #tpu.memory_space<hbm>> -> memref<80xi32, #tpu.memory_space<hbm>>
        tpu.wait_dma2 semaphore(%run_scoped3A : memref<!tpu.dma_semaphore, #tpu.memory_space<semaphore_mem>>) src(%dma_wait3A_77 : memref<80xi32, #tpu.memory_space<hbm>>) dst(%arg11 : memref<80xi32, #tpu.memory_space<vmem>>)
        tpu.yield
      }) : () -> ()
      %dma_start3A_71 = arith.constant 0 : i32
      %dma_start3A_72 = arith.constant 0 : i32
      %dma_start3A_73 = tpu.memref_slice %arg2[%dma_start3A_71, %dma_start3A_72] : memref<10000x128xf32, #tpu.memory_space<hbm>> -> memref<10000x128xf32, #tpu.memory_space<hbm>>
      tpu.enqueue_indirect_dma source(%dma_start3A_73 : memref<10000x128xf32, #tpu.memory_space<hbm>>) target(%arg14 : memref<80x128xf32, #tpu.memory_space<vmem>>) offsets(%arg10 : memref<80xi32, #tpu.memory_space<vmem>>) semaphore(%arg17 : memref<!tpu.dma_semaphore, #tpu.memory_space<semaphore_mem>>)
    }
    %scan3A_22 = arith.constant 125 : i32
    %dma_wait3A = arith.constant 0 : i32
    %dma_wait3A_23 = arith.constant 0 : i32
    %dma_wait3A_24 = tpu.memref_slice %arg2[%dma_wait3A, %dma_wait3A_23] : memref<10000x128xf32, #tpu.memory_space<hbm>> -> memref<10000x128xf32, #tpu.memory_space<hbm>>
    tpu.wait_indirect_dma semaphore(%arg16 : memref<!tpu.dma_semaphore, #tpu.memory_space<semaphore_mem>>) src(%dma_wait3A_24 : memref<10000x128xf32, #tpu.memory_space<hbm>>) dst(%arg13 : memref<80x128xf32, #tpu.memory_space<vmem>>)
    %dma_wait3A_25 = arith.constant 0 : i32
    %dma_wait3A_26 = arith.constant 0 : i32
    %dma_wait3A_27 = tpu.memref_slice %arg2[%dma_wait3A_25, %dma_wait3A_26] : memref<10000x128xf32, #tpu.memory_space<hbm>> -> memref<10000x128xf32, #tpu.memory_space<hbm>>
    tpu.wait_indirect_dma semaphore(%arg17 : memref<!tpu.dma_semaphore, #tpu.memory_space<semaphore_mem>>) src(%dma_wait3A_27 : memref<10000x128xf32, #tpu.memory_space<hbm>>) dst(%arg14 : memref<80x128xf32, #tpu.memory_space<vmem>>)
    %barrier3A_28 = arith.constant 0 : index
    tpu.barrier barrier_id(%barrier3A_28)
    %scan3A_29 = arith.constant 0 : i32
    %scan3A_30 = arith.constant 8 : i32
    %scan3A_31 = arith.addi %scan3A_29, %scan3A_30 : i32
    %scan3A_32 = arith.constant 1 : i32
    scf.for %scan3A_34 = %scan3A_29 to %scan3A_31 step %scan3A_32  : i32 {
      %mul3A_35 = arith.constant 80 : i32
      %mul3A_36 = arith.muli %scan3A_34, %mul3A_35 : i32
      %add3A_37 = arith.constant 0 : i32
      %add3A_38 = arith.addi %add3A_37, %mul3A_36 : i32
      %add3A_39 = arith.addi %mul3A_0, %add3A_38 : i32
      "tpu.region"() ({
        %run_scoped3A = tpu.sem_alloc : memref<!tpu.dma_semaphore, #tpu.memory_space<semaphore_mem>>
        %dma_start3A_42 = tpu.memref_slice %arg6[%add3A_39] : memref<10240xi32, #tpu.memory_space<hbm>> -> memref<80xi32, #tpu.memory_space<hbm>>
        %dma_start3A_43 = tpu.memref_slice %arg6[%add3A_39] : memref<10240xi32, #tpu.memory_space<hbm>> -> memref<80xi32, #tpu.memory_space<hbm>>
        tpu.enqueue_dma source(%dma_start3A_43 : memref<80xi32, #tpu.memory_space<hbm>>) target(%arg12 : memref<80xi32, #tpu.memory_space<vmem>>) target_semaphore(%run_scoped3A : memref<!tpu.dma_semaphore, #tpu.memory_space<semaphore_mem>>)
        %dma_wait3A_44 = tpu.memref_slice %arg6[%add3A_39] : memref<10240xi32, #tpu.memory_space<hbm>> -> memref<80xi32, #tpu.memory_space<hbm>>
        %dma_wait3A_45 = tpu.memref_slice %arg6[%add3A_39] : memref<10240xi32, #tpu.memory_space<hbm>> -> memref<80xi32, #tpu.memory_space<hbm>>
        tpu.wait_dma2 semaphore(%run_scoped3A : memref<!tpu.dma_semaphore, #tpu.memory_space<semaphore_mem>>) src(%dma_wait3A_45 : memref<80xi32, #tpu.memory_space<hbm>>) dst(%arg12 : memref<80xi32, #tpu.memory_space<vmem>>)
        tpu.yield
      }) : () -> ()
      "tpu.region"() ({
        %run_scoped3A = tpu.sem_alloc : memref<!tpu.dma_semaphore, #tpu.memory_space<semaphore_mem>>
        %dma_start3A_42 = arith.constant 0 : i32
        %dma_start3A_43 = arith.constant 0 : i32
        %dma_start3A_44 = tpu.memref_slice %arg15[%dma_start3A_42, %dma_start3A_43] : memref<10240x128xf32, #tpu.memory_space<vmem_shared>> -> memref<10240x128xf32, #tpu.memory_space<vmem_shared>>
        tpu.enqueue_indirect_dma source(%dma_start3A_44 : memref<10240x128xf32, #tpu.memory_space<vmem_shared>>) target(%arg13 : memref<80x128xf32, #tpu.memory_space<vmem>>) offsets(%arg12 : memref<80xi32, #tpu.memory_space<vmem>>) semaphore(%run_scoped3A : memref<!tpu.dma_semaphore, #tpu.memory_space<semaphore_mem>>)
        %dma_wait3A_45 = arith.constant 0 : i32
        %dma_wait3A_46 = arith.constant 0 : i32
        %dma_wait3A_47 = tpu.memref_slice %arg15[%dma_wait3A_45, %dma_wait3A_46] : memref<10240x128xf32, #tpu.memory_space<vmem_shared>> -> memref<10240x128xf32, #tpu.memory_space<vmem_shared>>
        tpu.wait_indirect_dma semaphore(%run_scoped3A : memref<!tpu.dma_semaphore, #tpu.memory_space<semaphore_mem>>) src(%dma_wait3A_47 : memref<10240x128xf32, #tpu.memory_space<vmem_shared>>) dst(%arg13 : memref<80x128xf32, #tpu.memory_space<vmem>>)
        tpu.yield
      }) : () -> ()
      %add3A_40 = arith.addi %mul3A_2, %mul3A_0 : i32
      %add3A_41 = arith.addi %add3A_40, %add3A_38 : i32
      "tpu.region"() ({
        %run_scoped3A = tpu.sem_alloc : memref<!tpu.dma_semaphore, #tpu.memory_space<semaphore_mem>>
        %dma_start3A_42 = arith.constant 0 : i32
        %dma_start3A_43 = tpu.memref_slice %arg7[%add3A_41, %dma_start3A_42] : memref<20480x128xf32, #tpu.memory_space<hbm>> -> memref<80x128xf32, #tpu.memory_space<hbm>>
        %dma_start3A_44 = arith.constant 0 : i32
        %dma_start3A_45 = tpu.memref_slice %arg7[%add3A_41, %dma_start3A_44] : memref<20480x128xf32, #tpu.memory_space<hbm>> -> memref<80x128xf32, #tpu.memory_space<hbm>>
        tpu.enqueue_dma source(%arg13 : memref<80x128xf32, #tpu.memory_space<vmem>>) target(%dma_start3A_45 : memref<80x128xf32, #tpu.memory_space<hbm>>) target_semaphore(%run_scoped3A : memref<!tpu.dma_semaphore, #tpu.memory_space<semaphore_mem>>)
        %dma_wait3A_46 = arith.constant 0 : i32
        %dma_wait3A_47 = tpu.memref_slice %arg7[%add3A_41, %dma_wait3A_46] : memref<20480x128xf32, #tpu.memory_space<hbm>> -> memref<80x128xf32, #tpu.memory_space<hbm>>
        %dma_wait3A_48 = arith.constant 0 : i32
        %dma_wait3A_49 = tpu.memref_slice %arg7[%add3A_41, %dma_wait3A_48] : memref<20480x128xf32, #tpu.memory_space<hbm>> -> memref<80x128xf32, #tpu.memory_space<hbm>>
        tpu.wait_dma2 semaphore(%run_scoped3A : memref<!tpu.dma_semaphore, #tpu.memory_space<semaphore_mem>>) src(%arg13 : memref<80x128xf32, #tpu.memory_space<vmem>>) dst(%dma_wait3A_49 : memref<80x128xf32, #tpu.memory_space<hbm>>)
        tpu.yield
      }) : () -> ()
    }
    %scan3A_33 = arith.constant 8 : i32
    return
  }
}

#map = affine_map<(d0, d1) -> (0, 0)>
#map1 = affine_map<(d0, d1) -> (0)>
module attributes {stable_mosaic.version = 14 : i64} {
  func.func @agg(%arg0: i32, %arg1: i32, %arg2: memref<20000x128xf32, #tpu.memory_space<hbm>>, %arg3: memref<640000xi32, #tpu.memory_space<hbm>>, %arg4: memref<640000xi32, #tpu.memory_space<hbm>>, %arg5: memref<80x128xf32, #tpu.memory_space<hbm>>, %arg6: memref<10240xi32, #tpu.memory_space<hbm>>, %arg7: memref<20480x128xf32, #tpu.memory_space<hbm>>, %arg8: memref<80xi32, #tpu.memory_space<vmem>>, %arg9: memref<80xi32, #tpu.memory_space<vmem>>, %arg10: memref<80xi32, #tpu.memory_space<vmem>>, %arg11: memref<80xi32, #tpu.memory_space<vmem>>, %arg12: memref<80xi32, #tpu.memory_space<vmem>>, %arg13: memref<80x128xf32, #tpu.memory_space<vmem>>, %arg14: memref<80x128xf32, #tpu.memory_space<vmem>>, %arg15: memref<10240x128xf32, #tpu.memory_space<vmem_shared>>, %arg16: memref<!tpu.dma_semaphore, #tpu.memory_space<semaphore_mem>>, %arg17: memref<!tpu.dma_semaphore, #tpu.memory_space<semaphore_mem>>, %arg18: memref<!tpu.dma_semaphore, #tpu.memory_space<semaphore_mem>>, %arg19: memref<!tpu.dma_semaphore, #tpu.memory_space<semaphore_mem>>) attributes {dimension_semantics = [#tpu.dimension_semantics<core_parallel>, #tpu.dimension_semantics<subcore_parallel>], iteration_bounds = array<i64: 2, 16>, scalar_prefetch = 0 : i64, scratch_operands = 12 : i64, tpu.core_type = #tpu.core_type<sc_vector_subcore>, window_params = [{transform_indices = #map}, {transform_indices = #map1}, {transform_indices = #map1}, {transform_indices = #map}, {transform_indices = #map1}, {transform_indices = #map}]} {
    %mul3A = arith.constant 640 : i32
    %mul3A_0 = arith.muli %arg1, %mul3A : i32
    %mul3A_1 = arith.constant 10240 : i32
    %mul3A_2 = arith.muli %arg0, %mul3A_1 : i32
    %mul3A_3 = arith.constant 320000 : i32
    %mul3A_4 = arith.muli %arg0, %mul3A_3 : i32
    "tpu.region"() ({
      %run_scoped3A = tpu.sem_alloc : memref<!tpu.dma_semaphore, #tpu.memory_space<semaphore_mem>>
      tpu.enqueue_dma source(%arg5 : memref<80x128xf32, #tpu.memory_space<hbm>>) target(%arg13 : memref<80x128xf32, #tpu.memory_space<vmem>>) target_semaphore(%run_scoped3A : memref<!tpu.dma_semaphore, #tpu.memory_space<semaphore_mem>>)
      tpu.wait_dma2 semaphore(%run_scoped3A : memref<!tpu.dma_semaphore, #tpu.memory_space<semaphore_mem>>) src(%arg5 : memref<80x128xf32, #tpu.memory_space<hbm>>) dst(%arg13 : memref<80x128xf32, #tpu.memory_space<vmem>>)
      tpu.yield
    }) : () -> ()
    %scan3A = arith.constant 0 : i32
    %scan3A_5 = arith.constant 8 : i32
    %scan3A_6 = arith.addi %scan3A, %scan3A_5 : i32
    %scan3A_7 = arith.constant 1 : i32
    scf.for %scan3A_34 = %scan3A to %scan3A_6 step %scan3A_7  : i32 {
      %mul3A_35 = arith.constant 80 : i32
      %mul3A_36 = arith.muli %scan3A_34, %mul3A_35 : i32
      %add3A_37 = arith.constant 0 : i32
      %add3A_38 = arith.addi %add3A_37, %mul3A_36 : i32
      %add3A_39 = arith.addi %mul3A_0, %add3A_38 : i32
      "tpu.region"() ({
        %run_scoped3A = tpu.sem_alloc : memref<!tpu.dma_semaphore, #tpu.memory_space<semaphore_mem>>
        %dma_start3A_40 = tpu.memref_slice %arg6[%add3A_39] : memref<10240xi32, #tpu.memory_space<hbm>> -> memref<80xi32, #tpu.memory_space<hbm>>
        %dma_start3A_41 = tpu.memref_slice %arg6[%add3A_39] : memref<10240xi32, #tpu.memory_space<hbm>> -> memref<80xi32, #tpu.memory_space<hbm>>
        tpu.enqueue_dma source(%dma_start3A_41 : memref<80xi32, #tpu.memory_space<hbm>>) target(%arg12 : memref<80xi32, #tpu.memory_space<vmem>>) target_semaphore(%run_scoped3A : memref<!tpu.dma_semaphore, #tpu.memory_space<semaphore_mem>>)
        %dma_wait3A_42 = tpu.memref_slice %arg6[%add3A_39] : memref<10240xi32, #tpu.memory_space<hbm>> -> memref<80xi32, #tpu.memory_space<hbm>>
        %dma_wait3A_43 = tpu.memref_slice %arg6[%add3A_39] : memref<10240xi32, #tpu.memory_space<hbm>> -> memref<80xi32, #tpu.memory_space<hbm>>
        tpu.wait_dma2 semaphore(%run_scoped3A : memref<!tpu.dma_semaphore, #tpu.memory_space<semaphore_mem>>) src(%dma_wait3A_43 : memref<80xi32, #tpu.memory_space<hbm>>) dst(%arg12 : memref<80xi32, #tpu.memory_space<vmem>>)
        tpu.yield
      }) : () -> ()
      "tpu.region"() ({
        %run_scoped3A = tpu.sem_alloc : memref<!tpu.dma_semaphore, #tpu.memory_space<semaphore_mem>>
        %dma_start3A_40 = arith.constant 0 : i32
        %dma_start3A_41 = arith.constant 0 : i32
        %dma_start3A_42 = tpu.memref_slice %arg15[%dma_start3A_40, %dma_start3A_41] : memref<10240x128xf32, #tpu.memory_space<vmem_shared>> -> memref<10240x128xf32, #tpu.memory_space<vmem_shared>>
        tpu.enqueue_indirect_dma source(%arg13 : memref<80x128xf32, #tpu.memory_space<vmem>>) target(%dma_start3A_42 : memref<10240x128xf32, #tpu.memory_space<vmem_shared>>) offsets(%arg12 : memref<80xi32, #tpu.memory_space<vmem>>) semaphore(%run_scoped3A : memref<!tpu.dma_semaphore, #tpu.memory_space<semaphore_mem>>)
        %dma_wait3A_43 = arith.constant 0 : i32
        %dma_wait3A_44 = arith.constant 0 : i32
        %dma_wait3A_45 = tpu.memref_slice %arg15[%dma_wait3A_43, %dma_wait3A_44] : memref<10240x128xf32, #tpu.memory_space<vmem_shared>> -> memref<10240x128xf32, #tpu.memory_space<vmem_shared>>
        tpu.wait_indirect_dma semaphore(%run_scoped3A : memref<!tpu.dma_semaphore, #tpu.memory_space<semaphore_mem>>) src(%arg13 : memref<80x128xf32, #tpu.memory_space<vmem>>) dst(%dma_wait3A_45 : memref<10240x128xf32, #tpu.memory_space<vmem_shared>>)
        tpu.yield
      }) : () -> ()
    }
    %scan3A_8 = arith.constant 8 : i32
    %barrier3A = arith.constant 0 : index
    tpu.barrier barrier_id(%barrier3A)
    %mul3A_9 = arith.constant 20000 : i32
    %mul3A_10 = arith.muli %arg1, %mul3A_9 : i32
    %add3A = arith.addi %mul3A_4, %mul3A_10 : i32
    "tpu.region"() ({
      %run_scoped3A = tpu.sem_alloc : memref<!tpu.dma_semaphore, #tpu.memory_space<semaphore_mem>>
      %dma_start3A_34 = tpu.memref_slice %arg3[%add3A] : memref<640000xi32, #tpu.memory_space<hbm>> -> memref<80xi32, #tpu.memory_space<hbm>>
      %dma_start3A_35 = tpu.memref_slice %arg3[%add3A] : memref<640000xi32, #tpu.memory_space<hbm>> -> memref<80xi32, #tpu.memory_space<hbm>>
      tpu.enqueue_dma source(%dma_start3A_35 : memref<80xi32, #tpu.memory_space<hbm>>) target(%arg8 : memref<80xi32, #tpu.memory_space<vmem>>) target_semaphore(%run_scoped3A : memref<!tpu.dma_semaphore, #tpu.memory_space<semaphore_mem>>)
      %dma_wait3A_36 = tpu.memref_slice %arg3[%add3A] : memref<640000xi32, #tpu.memory_space<hbm>> -> memref<80xi32, #tpu.memory_space<hbm>>
      %dma_wait3A_37 = tpu.memref_slice %arg3[%add3A] : memref<640000xi32, #tpu.memory_space<hbm>> -> memref<80xi32, #tpu.memory_space<hbm>>
      tpu.wait_dma2 semaphore(%run_scoped3A : memref<!tpu.dma_semaphore, #tpu.memory_space<semaphore_mem>>) src(%dma_wait3A_37 : memref<80xi32, #tpu.memory_space<hbm>>) dst(%arg8 : memref<80xi32, #tpu.memory_space<vmem>>)
      tpu.yield
    }) : () -> ()
    "tpu.region"() ({
      %run_scoped3A = tpu.sem_alloc : memref<!tpu.dma_semaphore, #tpu.memory_space<semaphore_mem>>
      %dma_start3A_34 = tpu.memref_slice %arg4[%add3A] : memref<640000xi32, #tpu.memory_space<hbm>> -> memref<80xi32, #tpu.memory_space<hbm>>
      %dma_start3A_35 = tpu.memref_slice %arg4[%add3A] : memref<640000xi32, #tpu.memory_space<hbm>> -> memref<80xi32, #tpu.memory_space<hbm>>
      tpu.enqueue_dma source(%dma_start3A_35 : memref<80xi32, #tpu.memory_space<hbm>>) target(%arg9 : memref<80xi32, #tpu.memory_space<vmem>>) target_semaphore(%run_scoped3A : memref<!tpu.dma_semaphore, #tpu.memory_space<semaphore_mem>>)
      %dma_wait3A_36 = tpu.memref_slice %arg4[%add3A] : memref<640000xi32, #tpu.memory_space<hbm>> -> memref<80xi32, #tpu.memory_space<hbm>>
      %dma_wait3A_37 = tpu.memref_slice %arg4[%add3A] : memref<640000xi32, #tpu.memory_space<hbm>> -> memref<80xi32, #tpu.memory_space<hbm>>
      tpu.wait_dma2 semaphore(%run_scoped3A : memref<!tpu.dma_semaphore, #tpu.memory_space<semaphore_mem>>) src(%dma_wait3A_37 : memref<80xi32, #tpu.memory_space<hbm>>) dst(%arg9 : memref<80xi32, #tpu.memory_space<vmem>>)
      tpu.yield
    }) : () -> ()
    %dma_start3A = arith.constant 0 : i32
    %dma_start3A_11 = arith.constant 0 : i32
    %dma_start3A_12 = tpu.memref_slice %arg2[%dma_start3A, %dma_start3A_11] : memref<20000x128xf32, #tpu.memory_space<hbm>> -> memref<20000x128xf32, #tpu.memory_space<hbm>>
    tpu.enqueue_indirect_dma source(%dma_start3A_12 : memref<20000x128xf32, #tpu.memory_space<hbm>>) target(%arg13 : memref<80x128xf32, #tpu.memory_space<vmem>>) offsets(%arg8 : memref<80xi32, #tpu.memory_space<vmem>>) semaphore(%arg16 : memref<!tpu.dma_semaphore, #tpu.memory_space<semaphore_mem>>)
    %add3A_13 = arith.constant 80 : i32
    %add3A_14 = arith.addi %add3A, %add3A_13 : i32
    "tpu.region"() ({
      %run_scoped3A = tpu.sem_alloc : memref<!tpu.dma_semaphore, #tpu.memory_space<semaphore_mem>>
      %dma_start3A_34 = tpu.memref_slice %arg3[%add3A_14] : memref<640000xi32, #tpu.memory_space<hbm>> -> memref<80xi32, #tpu.memory_space<hbm>>
      %dma_start3A_35 = tpu.memref_slice %arg3[%add3A_14] : memref<640000xi32, #tpu.memory_space<hbm>> -> memref<80xi32, #tpu.memory_space<hbm>>
      tpu.enqueue_dma source(%dma_start3A_35 : memref<80xi32, #tpu.memory_space<hbm>>) target(%arg10 : memref<80xi32, #tpu.memory_space<vmem>>) target_semaphore(%run_scoped3A : memref<!tpu.dma_semaphore, #tpu.memory_space<semaphore_mem>>)
      %dma_wait3A_36 = tpu.memref_slice %arg3[%add3A_14] : memref<640000xi32, #tpu.memory_space<hbm>> -> memref<80xi32, #tpu.memory_space<hbm>>
      %dma_wait3A_37 = tpu.memref_slice %arg3[%add3A_14] : memref<640000xi32, #tpu.memory_space<hbm>> -> memref<80xi32, #tpu.memory_space<hbm>>
      tpu.wait_dma2 semaphore(%run_scoped3A : memref<!tpu.dma_semaphore, #tpu.memory_space<semaphore_mem>>) src(%dma_wait3A_37 : memref<80xi32, #tpu.memory_space<hbm>>) dst(%arg10 : memref<80xi32, #tpu.memory_space<vmem>>)
      tpu.yield
    }) : () -> ()
    "tpu.region"() ({
      %run_scoped3A = tpu.sem_alloc : memref<!tpu.dma_semaphore, #tpu.memory_space<semaphore_mem>>
      %dma_start3A_34 = tpu.memref_slice %arg4[%add3A_14] : memref<640000xi32, #tpu.memory_space<hbm>> -> memref<80xi32, #tpu.memory_space<hbm>>
      %dma_start3A_35 = tpu.memref_slice %arg4[%add3A_14] : memref<640000xi32, #tpu.memory_space<hbm>> -> memref<80xi32, #tpu.memory_space<hbm>>
      tpu.enqueue_dma source(%dma_start3A_35 : memref<80xi32, #tpu.memory_space<hbm>>) target(%arg11 : memref<80xi32, #tpu.memory_space<vmem>>) target_semaphore(%run_scoped3A : memref<!tpu.dma_semaphore, #tpu.memory_space<semaphore_mem>>)
      %dma_wait3A_36 = tpu.memref_slice %arg4[%add3A_14] : memref<640000xi32, #tpu.memory_space<hbm>> -> memref<80xi32, #tpu.memory_space<hbm>>
      %dma_wait3A_37 = tpu.memref_slice %arg4[%add3A_14] : memref<640000xi32, #tpu.memory_space<hbm>> -> memref<80xi32, #tpu.memory_space<hbm>>
      tpu.wait_dma2 semaphore(%run_scoped3A : memref<!tpu.dma_semaphore, #tpu.memory_space<semaphore_mem>>) src(%dma_wait3A_37 : memref<80xi32, #tpu.memory_space<hbm>>) dst(%arg11 : memref<80xi32, #tpu.memory_space<vmem>>)
      tpu.yield
    }) : () -> ()
    %dma_start3A_15 = arith.constant 0 : i32
    %dma_start3A_16 = arith.constant 0 : i32
    %dma_start3A_17 = tpu.memref_slice %arg2[%dma_start3A_15, %dma_start3A_16] : memref<20000x128xf32, #tpu.memory_space<hbm>> -> memref<20000x128xf32, #tpu.memory_space<hbm>>
    tpu.enqueue_indirect_dma source(%dma_start3A_17 : memref<20000x128xf32, #tpu.memory_space<hbm>>) target(%arg14 : memref<80x128xf32, #tpu.memory_space<vmem>>) offsets(%arg10 : memref<80xi32, #tpu.memory_space<vmem>>) semaphore(%arg17 : memref<!tpu.dma_semaphore, #tpu.memory_space<semaphore_mem>>)
    %scan3A_18 = arith.constant 0 : i32
    %scan3A_19 = arith.constant 125 : i32
    %scan3A_20 = arith.addi %scan3A_18, %scan3A_19 : i32
    %scan3A_21 = arith.constant 1 : i32
    scf.for %scan3A_34 = %scan3A_18 to %scan3A_20 step %scan3A_21  : i32 {
      %mul3A_35 = arith.constant 160 : i32
      %mul3A_36 = arith.muli %scan3A_34, %mul3A_35 : i32
      %add3A_37 = arith.constant 0 : i32
      %add3A_38 = arith.addi %add3A_37, %mul3A_36 : i32
      %dma_wait3A_39 = arith.constant 0 : i32
      %dma_wait3A_40 = arith.constant 0 : i32
      %dma_wait3A_41 = tpu.memref_slice %arg2[%dma_wait3A_39, %dma_wait3A_40] : memref<20000x128xf32, #tpu.memory_space<hbm>> -> memref<20000x128xf32, #tpu.memory_space<hbm>>
      tpu.wait_indirect_dma semaphore(%arg16 : memref<!tpu.dma_semaphore, #tpu.memory_space<semaphore_mem>>) src(%dma_wait3A_41 : memref<20000x128xf32, #tpu.memory_space<hbm>>) dst(%arg13 : memref<80x128xf32, #tpu.memory_space<vmem>>)
      %dma_start3A_42 = arith.constant 0 : i32
      %dma_start3A_43 = arith.constant 0 : i32
      %dma_start3A_44 = tpu.memref_slice %arg15[%dma_start3A_42, %dma_start3A_43] : memref<10240x128xf32, #tpu.memory_space<vmem_shared>> -> memref<10240x128xf32, #tpu.memory_space<vmem_shared>>
      tpu.enqueue_indirect_dma source(%arg13 : memref<80x128xf32, #tpu.memory_space<vmem>>) target(%dma_start3A_44 : memref<10240x128xf32, #tpu.memory_space<vmem_shared>>) offsets(%arg9 : memref<80xi32, #tpu.memory_space<vmem>>) semaphore(%arg18 : memref<!tpu.dma_semaphore, #tpu.memory_space<semaphore_mem>>) {add = true}
      %dma_wait3A_45 = arith.constant 0 : i32
      %dma_wait3A_46 = arith.constant 0 : i32
      %dma_wait3A_47 = tpu.memref_slice %arg2[%dma_wait3A_45, %dma_wait3A_46] : memref<20000x128xf32, #tpu.memory_space<hbm>> -> memref<20000x128xf32, #tpu.memory_space<hbm>>
      tpu.wait_indirect_dma semaphore(%arg17 : memref<!tpu.dma_semaphore, #tpu.memory_space<semaphore_mem>>) src(%dma_wait3A_47 : memref<20000x128xf32, #tpu.memory_space<hbm>>) dst(%arg14 : memref<80x128xf32, #tpu.memory_space<vmem>>)
      %dma_start3A_48 = arith.constant 0 : i32
      %dma_start3A_49 = arith.constant 0 : i32
      %dma_start3A_50 = tpu.memref_slice %arg15[%dma_start3A_48, %dma_start3A_49] : memref<10240x128xf32, #tpu.memory_space<vmem_shared>> -> memref<10240x128xf32, #tpu.memory_space<vmem_shared>>
      tpu.enqueue_indirect_dma source(%arg14 : memref<80x128xf32, #tpu.memory_space<vmem>>) target(%dma_start3A_50 : memref<10240x128xf32, #tpu.memory_space<vmem_shared>>) offsets(%arg11 : memref<80xi32, #tpu.memory_space<vmem>>) semaphore(%arg19 : memref<!tpu.dma_semaphore, #tpu.memory_space<semaphore_mem>>) {add = true}
      %add3A_51 = arith.constant 160 : i32
      %add3A_52 = arith.addi %add3A_38, %add3A_51 : i32
      %lt3A = arith.constant 20000 : i32
      %lt3A_53 = arith.cmpi slt, %add3A_52, %lt3A : i32
      %jit3A = arith.constant 0 : i32
      %select_n3A = arith.select %lt3A_53, %add3A_52, %jit3A : i32
      %add3A_54 = arith.addi %add3A, %select_n3A : i32
      %dma_wait3A_55 = arith.constant 0 : i32
      %dma_wait3A_56 = arith.constant 0 : i32
      %dma_wait3A_57 = tpu.memref_slice %arg15[%dma_wait3A_55, %dma_wait3A_56] : memref<10240x128xf32, #tpu.memory_space<vmem_shared>> -> memref<10240x128xf32, #tpu.memory_space<vmem_shared>>
      tpu.wait_indirect_dma semaphore(%arg18 : memref<!tpu.dma_semaphore, #tpu.memory_space<semaphore_mem>>) src(%arg13 : memref<80x128xf32, #tpu.memory_space<vmem>>) dst(%dma_wait3A_57 : memref<10240x128xf32, #tpu.memory_space<vmem_shared>>)
      "tpu.region"() ({
        %run_scoped3A = tpu.sem_alloc : memref<!tpu.dma_semaphore, #tpu.memory_space<semaphore_mem>>
        %dma_start3A_74 = tpu.memref_slice %arg3[%add3A_54] : memref<640000xi32, #tpu.memory_space<hbm>> -> memref<80xi32, #tpu.memory_space<hbm>>
        %dma_start3A_75 = tpu.memref_slice %arg3[%add3A_54] : memref<640000xi32, #tpu.memory_space<hbm>> -> memref<80xi32, #tpu.memory_space<hbm>>
        tpu.enqueue_dma source(%dma_start3A_75 : memref<80xi32, #tpu.memory_space<hbm>>) target(%arg8 : memref<80xi32, #tpu.memory_space<vmem>>) target_semaphore(%run_scoped3A : memref<!tpu.dma_semaphore, #tpu.memory_space<semaphore_mem>>)
        %dma_wait3A_76 = tpu.memref_slice %arg3[%add3A_54] : memref<640000xi32, #tpu.memory_space<hbm>> -> memref<80xi32, #tpu.memory_space<hbm>>
        %dma_wait3A_77 = tpu.memref_slice %arg3[%add3A_54] : memref<640000xi32, #tpu.memory_space<hbm>> -> memref<80xi32, #tpu.memory_space<hbm>>
        tpu.wait_dma2 semaphore(%run_scoped3A : memref<!tpu.dma_semaphore, #tpu.memory_space<semaphore_mem>>) src(%dma_wait3A_77 : memref<80xi32, #tpu.memory_space<hbm>>) dst(%arg8 : memref<80xi32, #tpu.memory_space<vmem>>)
        tpu.yield
      }) : () -> ()
      "tpu.region"() ({
        %run_scoped3A = tpu.sem_alloc : memref<!tpu.dma_semaphore, #tpu.memory_space<semaphore_mem>>
        %dma_start3A_74 = tpu.memref_slice %arg4[%add3A_54] : memref<640000xi32, #tpu.memory_space<hbm>> -> memref<80xi32, #tpu.memory_space<hbm>>
        %dma_start3A_75 = tpu.memref_slice %arg4[%add3A_54] : memref<640000xi32, #tpu.memory_space<hbm>> -> memref<80xi32, #tpu.memory_space<hbm>>
        tpu.enqueue_dma source(%dma_start3A_75 : memref<80xi32, #tpu.memory_space<hbm>>) target(%arg9 : memref<80xi32, #tpu.memory_space<vmem>>) target_semaphore(%run_scoped3A : memref<!tpu.dma_semaphore, #tpu.memory_space<semaphore_mem>>)
        %dma_wait3A_76 = tpu.memref_slice %arg4[%add3A_54] : memref<640000xi32, #tpu.memory_space<hbm>> -> memref<80xi32, #tpu.memory_space<hbm>>
        %dma_wait3A_77 = tpu.memref_slice %arg4[%add3A_54] : memref<640000xi32, #tpu.memory_space<hbm>> -> memref<80xi32, #tpu.memory_space<hbm>>
        tpu.wait_dma2 semaphore(%run_scoped3A : memref<!tpu.dma_semaphore, #tpu.memory_space<semaphore_mem>>) src(%dma_wait3A_77 : memref<80xi32, #tpu.memory_space<hbm>>) dst(%arg9 : memref<80xi32, #tpu.memory_space<vmem>>)
        tpu.yield
      }) : () -> ()
      %dma_start3A_58 = arith.constant 0 : i32
      %dma_start3A_59 = arith.constant 0 : i32
      %dma_start3A_60 = tpu.memref_slice %arg2[%dma_start3A_58, %dma_start3A_59] : memref<20000x128xf32, #tpu.memory_space<hbm>> -> memref<20000x128xf32, #tpu.memory_space<hbm>>
      tpu.enqueue_indirect_dma source(%dma_start3A_60 : memref<20000x128xf32, #tpu.memory_space<hbm>>) target(%arg13 : memref<80x128xf32, #tpu.memory_space<vmem>>) offsets(%arg8 : memref<80xi32, #tpu.memory_space<vmem>>) semaphore(%arg16 : memref<!tpu.dma_semaphore, #tpu.memory_space<semaphore_mem>>)
      %add3A_61 = arith.constant 240 : i32
      %add3A_62 = arith.addi %add3A_38, %add3A_61 : i32
      %lt3A_63 = arith.constant 20000 : i32
      %lt3A_64 = arith.cmpi slt, %add3A_62, %lt3A_63 : i32
      %jit3A_65 = arith.constant 0 : i32
      %select_n3A_66 = arith.select %lt3A_64, %add3A_62, %jit3A_65 : i32
      %add3A_67 = arith.addi %add3A, %select_n3A_66 : i32
      %dma_wait3A_68 = arith.constant 0 : i32
      %dma_wait3A_69 = arith.constant 0 : i32
      %dma_wait3A_70 = tpu.memref_slice %arg15[%dma_wait3A_68, %dma_wait3A_69] : memref<10240x128xf32, #tpu.memory_space<vmem_shared>> -> memref<10240x128xf32, #tpu.memory_space<vmem_shared>>
      tpu.wait_indirect_dma semaphore(%arg19 : memref<!tpu.dma_semaphore, #tpu.memory_space<semaphore_mem>>) src(%arg14 : memref<80x128xf32, #tpu.memory_space<vmem>>) dst(%dma_wait3A_70 : memref<10240x128xf32, #tpu.memory_space<vmem_shared>>)
      "tpu.region"() ({
        %run_scoped3A = tpu.sem_alloc : memref<!tpu.dma_semaphore, #tpu.memory_space<semaphore_mem>>
        %dma_start3A_74 = tpu.memref_slice %arg3[%add3A_67] : memref<640000xi32, #tpu.memory_space<hbm>> -> memref<80xi32, #tpu.memory_space<hbm>>
        %dma_start3A_75 = tpu.memref_slice %arg3[%add3A_67] : memref<640000xi32, #tpu.memory_space<hbm>> -> memref<80xi32, #tpu.memory_space<hbm>>
        tpu.enqueue_dma source(%dma_start3A_75 : memref<80xi32, #tpu.memory_space<hbm>>) target(%arg10 : memref<80xi32, #tpu.memory_space<vmem>>) target_semaphore(%run_scoped3A : memref<!tpu.dma_semaphore, #tpu.memory_space<semaphore_mem>>)
        %dma_wait3A_76 = tpu.memref_slice %arg3[%add3A_67] : memref<640000xi32, #tpu.memory_space<hbm>> -> memref<80xi32, #tpu.memory_space<hbm>>
        %dma_wait3A_77 = tpu.memref_slice %arg3[%add3A_67] : memref<640000xi32, #tpu.memory_space<hbm>> -> memref<80xi32, #tpu.memory_space<hbm>>
        tpu.wait_dma2 semaphore(%run_scoped3A : memref<!tpu.dma_semaphore, #tpu.memory_space<semaphore_mem>>) src(%dma_wait3A_77 : memref<80xi32, #tpu.memory_space<hbm>>) dst(%arg10 : memref<80xi32, #tpu.memory_space<vmem>>)
        tpu.yield
      }) : () -> ()
      "tpu.region"() ({
        %run_scoped3A = tpu.sem_alloc : memref<!tpu.dma_semaphore, #tpu.memory_space<semaphore_mem>>
        %dma_start3A_74 = tpu.memref_slice %arg4[%add3A_67] : memref<640000xi32, #tpu.memory_space<hbm>> -> memref<80xi32, #tpu.memory_space<hbm>>
        %dma_start3A_75 = tpu.memref_slice %arg4[%add3A_67] : memref<640000xi32, #tpu.memory_space<hbm>> -> memref<80xi32, #tpu.memory_space<hbm>>
        tpu.enqueue_dma source(%dma_start3A_75 : memref<80xi32, #tpu.memory_space<hbm>>) target(%arg11 : memref<80xi32, #tpu.memory_space<vmem>>) target_semaphore(%run_scoped3A : memref<!tpu.dma_semaphore, #tpu.memory_space<semaphore_mem>>)
        %dma_wait3A_76 = tpu.memref_slice %arg4[%add3A_67] : memref<640000xi32, #tpu.memory_space<hbm>> -> memref<80xi32, #tpu.memory_space<hbm>>
        %dma_wait3A_77 = tpu.memref_slice %arg4[%add3A_67] : memref<640000xi32, #tpu.memory_space<hbm>> -> memref<80xi32, #tpu.memory_space<hbm>>
        tpu.wait_dma2 semaphore(%run_scoped3A : memref<!tpu.dma_semaphore, #tpu.memory_space<semaphore_mem>>) src(%dma_wait3A_77 : memref<80xi32, #tpu.memory_space<hbm>>) dst(%arg11 : memref<80xi32, #tpu.memory_space<vmem>>)
        tpu.yield
      }) : () -> ()
      %dma_start3A_71 = arith.constant 0 : i32
      %dma_start3A_72 = arith.constant 0 : i32
      %dma_start3A_73 = tpu.memref_slice %arg2[%dma_start3A_71, %dma_start3A_72] : memref<20000x128xf32, #tpu.memory_space<hbm>> -> memref<20000x128xf32, #tpu.memory_space<hbm>>
      tpu.enqueue_indirect_dma source(%dma_start3A_73 : memref<20000x128xf32, #tpu.memory_space<hbm>>) target(%arg14 : memref<80x128xf32, #tpu.memory_space<vmem>>) offsets(%arg10 : memref<80xi32, #tpu.memory_space<vmem>>) semaphore(%arg17 : memref<!tpu.dma_semaphore, #tpu.memory_space<semaphore_mem>>)
    }
    %scan3A_22 = arith.constant 125 : i32
    %dma_wait3A = arith.constant 0 : i32
    %dma_wait3A_23 = arith.constant 0 : i32
    %dma_wait3A_24 = tpu.memref_slice %arg2[%dma_wait3A, %dma_wait3A_23] : memref<20000x128xf32, #tpu.memory_space<hbm>> -> memref<20000x128xf32, #tpu.memory_space<hbm>>
    tpu.wait_indirect_dma semaphore(%arg16 : memref<!tpu.dma_semaphore, #tpu.memory_space<semaphore_mem>>) src(%dma_wait3A_24 : memref<20000x128xf32, #tpu.memory_space<hbm>>) dst(%arg13 : memref<80x128xf32, #tpu.memory_space<vmem>>)
    %dma_wait3A_25 = arith.constant 0 : i32
    %dma_wait3A_26 = arith.constant 0 : i32
    %dma_wait3A_27 = tpu.memref_slice %arg2[%dma_wait3A_25, %dma_wait3A_26] : memref<20000x128xf32, #tpu.memory_space<hbm>> -> memref<20000x128xf32, #tpu.memory_space<hbm>>
    tpu.wait_indirect_dma semaphore(%arg17 : memref<!tpu.dma_semaphore, #tpu.memory_space<semaphore_mem>>) src(%dma_wait3A_27 : memref<20000x128xf32, #tpu.memory_space<hbm>>) dst(%arg14 : memref<80x128xf32, #tpu.memory_space<vmem>>)
    %barrier3A_28 = arith.constant 0 : index
    tpu.barrier barrier_id(%barrier3A_28)
    %scan3A_29 = arith.constant 0 : i32
    %scan3A_30 = arith.constant 8 : i32
    %scan3A_31 = arith.addi %scan3A_29, %scan3A_30 : i32
    %scan3A_32 = arith.constant 1 : i32
    scf.for %scan3A_34 = %scan3A_29 to %scan3A_31 step %scan3A_32  : i32 {
      %mul3A_35 = arith.constant 80 : i32
      %mul3A_36 = arith.muli %scan3A_34, %mul3A_35 : i32
      %add3A_37 = arith.constant 0 : i32
      %add3A_38 = arith.addi %add3A_37, %mul3A_36 : i32
      %add3A_39 = arith.addi %mul3A_0, %add3A_38 : i32
      "tpu.region"() ({
        %run_scoped3A = tpu.sem_alloc : memref<!tpu.dma_semaphore, #tpu.memory_space<semaphore_mem>>
        %dma_start3A_42 = tpu.memref_slice %arg6[%add3A_39] : memref<10240xi32, #tpu.memory_space<hbm>> -> memref<80xi32, #tpu.memory_space<hbm>>
        %dma_start3A_43 = tpu.memref_slice %arg6[%add3A_39] : memref<10240xi32, #tpu.memory_space<hbm>> -> memref<80xi32, #tpu.memory_space<hbm>>
        tpu.enqueue_dma source(%dma_start3A_43 : memref<80xi32, #tpu.memory_space<hbm>>) target(%arg12 : memref<80xi32, #tpu.memory_space<vmem>>) target_semaphore(%run_scoped3A : memref<!tpu.dma_semaphore, #tpu.memory_space<semaphore_mem>>)
        %dma_wait3A_44 = tpu.memref_slice %arg6[%add3A_39] : memref<10240xi32, #tpu.memory_space<hbm>> -> memref<80xi32, #tpu.memory_space<hbm>>
        %dma_wait3A_45 = tpu.memref_slice %arg6[%add3A_39] : memref<10240xi32, #tpu.memory_space<hbm>> -> memref<80xi32, #tpu.memory_space<hbm>>
        tpu.wait_dma2 semaphore(%run_scoped3A : memref<!tpu.dma_semaphore, #tpu.memory_space<semaphore_mem>>) src(%dma_wait3A_45 : memref<80xi32, #tpu.memory_space<hbm>>) dst(%arg12 : memref<80xi32, #tpu.memory_space<vmem>>)
        tpu.yield
      }) : () -> ()
      "tpu.region"() ({
        %run_scoped3A = tpu.sem_alloc : memref<!tpu.dma_semaphore, #tpu.memory_space<semaphore_mem>>
        %dma_start3A_42 = arith.constant 0 : i32
        %dma_start3A_43 = arith.constant 0 : i32
        %dma_start3A_44 = tpu.memref_slice %arg15[%dma_start3A_42, %dma_start3A_43] : memref<10240x128xf32, #tpu.memory_space<vmem_shared>> -> memref<10240x128xf32, #tpu.memory_space<vmem_shared>>
        tpu.enqueue_indirect_dma source(%dma_start3A_44 : memref<10240x128xf32, #tpu.memory_space<vmem_shared>>) target(%arg13 : memref<80x128xf32, #tpu.memory_space<vmem>>) offsets(%arg12 : memref<80xi32, #tpu.memory_space<vmem>>) semaphore(%run_scoped3A : memref<!tpu.dma_semaphore, #tpu.memory_space<semaphore_mem>>)
        %dma_wait3A_45 = arith.constant 0 : i32
        %dma_wait3A_46 = arith.constant 0 : i32
        %dma_wait3A_47 = tpu.memref_slice %arg15[%dma_wait3A_45, %dma_wait3A_46] : memref<10240x128xf32, #tpu.memory_space<vmem_shared>> -> memref<10240x128xf32, #tpu.memory_space<vmem_shared>>
        tpu.wait_indirect_dma semaphore(%run_scoped3A : memref<!tpu.dma_semaphore, #tpu.memory_space<semaphore_mem>>) src(%dma_wait3A_47 : memref<10240x128xf32, #tpu.memory_space<vmem_shared>>) dst(%arg13 : memref<80x128xf32, #tpu.memory_space<vmem>>)
        tpu.yield
      }) : () -> ()
      %add3A_40 = arith.addi %mul3A_2, %mul3A_0 : i32
      %add3A_41 = arith.addi %add3A_40, %add3A_38 : i32
      "tpu.region"() ({
        %run_scoped3A = tpu.sem_alloc : memref<!tpu.dma_semaphore, #tpu.memory_space<semaphore_mem>>
        %dma_start3A_42 = arith.constant 0 : i32
        %dma_start3A_43 = tpu.memref_slice %arg7[%add3A_41, %dma_start3A_42] : memref<20480x128xf32, #tpu.memory_space<hbm>> -> memref<80x128xf32, #tpu.memory_space<hbm>>
        %dma_start3A_44 = arith.constant 0 : i32
        %dma_start3A_45 = tpu.memref_slice %arg7[%add3A_41, %dma_start3A_44] : memref<20480x128xf32, #tpu.memory_space<hbm>> -> memref<80x128xf32, #tpu.memory_space<hbm>>
        tpu.enqueue_dma source(%arg13 : memref<80x128xf32, #tpu.memory_space<vmem>>) target(%dma_start3A_45 : memref<80x128xf32, #tpu.memory_space<hbm>>) target_semaphore(%run_scoped3A : memref<!tpu.dma_semaphore, #tpu.memory_space<semaphore_mem>>)
        %dma_wait3A_46 = arith.constant 0 : i32
        %dma_wait3A_47 = tpu.memref_slice %arg7[%add3A_41, %dma_wait3A_46] : memref<20480x128xf32, #tpu.memory_space<hbm>> -> memref<80x128xf32, #tpu.memory_space<hbm>>
        %dma_wait3A_48 = arith.constant 0 : i32
        %dma_wait3A_49 = tpu.memref_slice %arg7[%add3A_41, %dma_wait3A_48] : memref<20480x128xf32, #tpu.memory_space<hbm>> -> memref<80x128xf32, #tpu.memory_space<hbm>>
        tpu.wait_dma2 semaphore(%run_scoped3A : memref<!tpu.dma_semaphore, #tpu.memory_space<semaphore_mem>>) src(%arg13 : memref<80x128xf32, #tpu.memory_space<vmem>>) dst(%dma_wait3A_49 : memref<80x128xf32, #tpu.memory_space<hbm>>)
        tpu.yield
      }) : () -> ()
    }
    %scan3A_33 = arith.constant 8 : i32
    return
  }
}

#map = affine_map<(d0, d1) -> (0)>
#map1 = affine_map<(d0, d1) -> (0, 0)>
module attributes {stable_mosaic.version = 14 : i64} {
  func.func @deg(%arg0: i32, %arg1: i32, %arg2: memref<640000xi32, #tpu.memory_space<hbm>>, %arg3: memref<80x128xf32, #tpu.memory_space<hbm>>, %arg4: memref<80x128xf32, #tpu.memory_space<hbm>>, %arg5: memref<10240xi32, #tpu.memory_space<hbm>>, %arg6: memref<20480x128xf32, #tpu.memory_space<hbm>>, %arg7: memref<80xi32, #tpu.memory_space<vmem>>, %arg8: memref<80xi32, #tpu.memory_space<vmem>>, %arg9: memref<80xi32, #tpu.memory_space<vmem>>, %arg10: memref<80x128xf32, #tpu.memory_space<vmem>>, %arg11: memref<10240x128xf32, #tpu.memory_space<vmem_shared>>, %arg12: memref<!tpu.dma_semaphore, #tpu.memory_space<semaphore_mem>>, %arg13: memref<!tpu.dma_semaphore, #tpu.memory_space<semaphore_mem>>) attributes {dimension_semantics = [#tpu.dimension_semantics<core_parallel>, #tpu.dimension_semantics<subcore_parallel>], iteration_bounds = array<i64: 2, 16>, scalar_prefetch = 0 : i64, scratch_operands = 7 : i64, tpu.core_type = #tpu.core_type<sc_vector_subcore>, window_params = [{transform_indices = #map}, {transform_indices = #map1}, {transform_indices = #map1}, {transform_indices = #map}, {transform_indices = #map1}]} {
    %mul3A = arith.constant 640 : i32
    %mul3A_0 = arith.muli %arg1, %mul3A : i32
    %mul3A_1 = arith.constant 10240 : i32
    %mul3A_2 = arith.muli %arg0, %mul3A_1 : i32
    %mul3A_3 = arith.constant 320000 : i32
    %mul3A_4 = arith.muli %arg0, %mul3A_3 : i32
    "tpu.region"() ({
      %run_scoped3A = tpu.sem_alloc : memref<!tpu.dma_semaphore, #tpu.memory_space<semaphore_mem>>
      tpu.enqueue_dma source(%arg3 : memref<80x128xf32, #tpu.memory_space<hbm>>) target(%arg10 : memref<80x128xf32, #tpu.memory_space<vmem>>) target_semaphore(%run_scoped3A : memref<!tpu.dma_semaphore, #tpu.memory_space<semaphore_mem>>)
      tpu.wait_dma2 semaphore(%run_scoped3A : memref<!tpu.dma_semaphore, #tpu.memory_space<semaphore_mem>>) src(%arg3 : memref<80x128xf32, #tpu.memory_space<hbm>>) dst(%arg10 : memref<80x128xf32, #tpu.memory_space<vmem>>)
      tpu.yield
    }) : () -> ()
    %scan3A = arith.constant 0 : i32
    %scan3A_5 = arith.constant 8 : i32
    %scan3A_6 = arith.addi %scan3A, %scan3A_5 : i32
    %scan3A_7 = arith.constant 1 : i32
    scf.for %scan3A_22 = %scan3A to %scan3A_6 step %scan3A_7  : i32 {
      %mul3A_23 = arith.constant 80 : i32
      %mul3A_24 = arith.muli %scan3A_22, %mul3A_23 : i32
      %add3A_25 = arith.constant 0 : i32
      %add3A_26 = arith.addi %add3A_25, %mul3A_24 : i32
      %add3A_27 = arith.addi %mul3A_0, %add3A_26 : i32
      "tpu.region"() ({
        %run_scoped3A = tpu.sem_alloc : memref<!tpu.dma_semaphore, #tpu.memory_space<semaphore_mem>>
        %dma_start3A = tpu.memref_slice %arg5[%add3A_27] : memref<10240xi32, #tpu.memory_space<hbm>> -> memref<80xi32, #tpu.memory_space<hbm>>
        %dma_start3A_28 = tpu.memref_slice %arg5[%add3A_27] : memref<10240xi32, #tpu.memory_space<hbm>> -> memref<80xi32, #tpu.memory_space<hbm>>
        tpu.enqueue_dma source(%dma_start3A_28 : memref<80xi32, #tpu.memory_space<hbm>>) target(%arg9 : memref<80xi32, #tpu.memory_space<vmem>>) target_semaphore(%run_scoped3A : memref<!tpu.dma_semaphore, #tpu.memory_space<semaphore_mem>>)
        %dma_wait3A = tpu.memref_slice %arg5[%add3A_27] : memref<10240xi32, #tpu.memory_space<hbm>> -> memref<80xi32, #tpu.memory_space<hbm>>
        %dma_wait3A_29 = tpu.memref_slice %arg5[%add3A_27] : memref<10240xi32, #tpu.memory_space<hbm>> -> memref<80xi32, #tpu.memory_space<hbm>>
        tpu.wait_dma2 semaphore(%run_scoped3A : memref<!tpu.dma_semaphore, #tpu.memory_space<semaphore_mem>>) src(%dma_wait3A_29 : memref<80xi32, #tpu.memory_space<hbm>>) dst(%arg9 : memref<80xi32, #tpu.memory_space<vmem>>)
        tpu.yield
      }) : () -> ()
      "tpu.region"() ({
        %run_scoped3A = tpu.sem_alloc : memref<!tpu.dma_semaphore, #tpu.memory_space<semaphore_mem>>
        %dma_start3A = arith.constant 0 : i32
        %dma_start3A_28 = arith.constant 0 : i32
        %dma_start3A_29 = tpu.memref_slice %arg11[%dma_start3A, %dma_start3A_28] : memref<10240x128xf32, #tpu.memory_space<vmem_shared>> -> memref<10240x128xf32, #tpu.memory_space<vmem_shared>>
        tpu.enqueue_indirect_dma source(%arg10 : memref<80x128xf32, #tpu.memory_space<vmem>>) target(%dma_start3A_29 : memref<10240x128xf32, #tpu.memory_space<vmem_shared>>) offsets(%arg9 : memref<80xi32, #tpu.memory_space<vmem>>) semaphore(%run_scoped3A : memref<!tpu.dma_semaphore, #tpu.memory_space<semaphore_mem>>)
        %dma_wait3A = arith.constant 0 : i32
        %dma_wait3A_30 = arith.constant 0 : i32
        %dma_wait3A_31 = tpu.memref_slice %arg11[%dma_wait3A, %dma_wait3A_30] : memref<10240x128xf32, #tpu.memory_space<vmem_shared>> -> memref<10240x128xf32, #tpu.memory_space<vmem_shared>>
        tpu.wait_indirect_dma semaphore(%run_scoped3A : memref<!tpu.dma_semaphore, #tpu.memory_space<semaphore_mem>>) src(%arg10 : memref<80x128xf32, #tpu.memory_space<vmem>>) dst(%dma_wait3A_31 : memref<10240x128xf32, #tpu.memory_space<vmem_shared>>)
        tpu.yield
      }) : () -> ()
    }
    %scan3A_8 = arith.constant 8 : i32
    "tpu.region"() ({
      %run_scoped3A = tpu.sem_alloc : memref<!tpu.dma_semaphore, #tpu.memory_space<semaphore_mem>>
      tpu.enqueue_dma source(%arg4 : memref<80x128xf32, #tpu.memory_space<hbm>>) target(%arg10 : memref<80x128xf32, #tpu.memory_space<vmem>>) target_semaphore(%run_scoped3A : memref<!tpu.dma_semaphore, #tpu.memory_space<semaphore_mem>>)
      tpu.wait_dma2 semaphore(%run_scoped3A : memref<!tpu.dma_semaphore, #tpu.memory_space<semaphore_mem>>) src(%arg4 : memref<80x128xf32, #tpu.memory_space<hbm>>) dst(%arg10 : memref<80x128xf32, #tpu.memory_space<vmem>>)
      tpu.yield
    }) : () -> ()
    %barrier3A = arith.constant 0 : index
    tpu.barrier barrier_id(%barrier3A)
    %mul3A_9 = arith.constant 20000 : i32
    %mul3A_10 = arith.muli %arg1, %mul3A_9 : i32
    %add3A = arith.addi %mul3A_4, %mul3A_10 : i32
    "tpu.region"() ({
      %run_scoped3A = tpu.sem_alloc : memref<!tpu.dma_semaphore, #tpu.memory_space<semaphore_mem>>
      %dma_start3A = tpu.memref_slice %arg2[%add3A] : memref<640000xi32, #tpu.memory_space<hbm>> -> memref<80xi32, #tpu.memory_space<hbm>>
      %dma_start3A_22 = tpu.memref_slice %arg2[%add3A] : memref<640000xi32, #tpu.memory_space<hbm>> -> memref<80xi32, #tpu.memory_space<hbm>>
      tpu.enqueue_dma source(%dma_start3A_22 : memref<80xi32, #tpu.memory_space<hbm>>) target(%arg7 : memref<80xi32, #tpu.memory_space<vmem>>) target_semaphore(%run_scoped3A : memref<!tpu.dma_semaphore, #tpu.memory_space<semaphore_mem>>)
      %dma_wait3A = tpu.memref_slice %arg2[%add3A] : memref<640000xi32, #tpu.memory_space<hbm>> -> memref<80xi32, #tpu.memory_space<hbm>>
      %dma_wait3A_23 = tpu.memref_slice %arg2[%add3A] : memref<640000xi32, #tpu.memory_space<hbm>> -> memref<80xi32, #tpu.memory_space<hbm>>
      tpu.wait_dma2 semaphore(%run_scoped3A : memref<!tpu.dma_semaphore, #tpu.memory_space<semaphore_mem>>) src(%dma_wait3A_23 : memref<80xi32, #tpu.memory_space<hbm>>) dst(%arg7 : memref<80xi32, #tpu.memory_space<vmem>>)
      tpu.yield
    }) : () -> ()
    %scan3A_11 = arith.constant 0 : i32
    %scan3A_12 = arith.constant 125 : i32
    %scan3A_13 = arith.addi %scan3A_11, %scan3A_12 : i32
    %scan3A_14 = arith.constant 1 : i32
    scf.for %scan3A_22 = %scan3A_11 to %scan3A_13 step %scan3A_14  : i32 {
      %mul3A_23 = arith.constant 160 : i32
      %mul3A_24 = arith.muli %scan3A_22, %mul3A_23 : i32
      %add3A_25 = arith.constant 0 : i32
      %add3A_26 = arith.addi %add3A_25, %mul3A_24 : i32
      %dma_start3A = arith.constant 0 : i32
      %dma_start3A_27 = arith.constant 0 : i32
      %dma_start3A_28 = tpu.memref_slice %arg11[%dma_start3A, %dma_start3A_27] : memref<10240x128xf32, #tpu.memory_space<vmem_shared>> -> memref<10240x128xf32, #tpu.memory_space<vmem_shared>>
      tpu.enqueue_indirect_dma source(%arg10 : memref<80x128xf32, #tpu.memory_space<vmem>>) target(%dma_start3A_28 : memref<10240x128xf32, #tpu.memory_space<vmem_shared>>) offsets(%arg7 : memref<80xi32, #tpu.memory_space<vmem>>) semaphore(%arg12 : memref<!tpu.dma_semaphore, #tpu.memory_space<semaphore_mem>>) {add = true}
      %add3A_29 = arith.addi %add3A, %add3A_26 : i32
      %add3A_30 = arith.constant 80 : i32
      %add3A_31 = arith.addi %add3A_29, %add3A_30 : i32
      "tpu.region"() ({
        %run_scoped3A = tpu.sem_alloc : memref<!tpu.dma_semaphore, #tpu.memory_space<semaphore_mem>>
        %dma_start3A_44 = tpu.memref_slice %arg2[%add3A_31] : memref<640000xi32, #tpu.memory_space<hbm>> -> memref<80xi32, #tpu.memory_space<hbm>>
        %dma_start3A_45 = tpu.memref_slice %arg2[%add3A_31] : memref<640000xi32, #tpu.memory_space<hbm>> -> memref<80xi32, #tpu.memory_space<hbm>>
        tpu.enqueue_dma source(%dma_start3A_45 : memref<80xi32, #tpu.memory_space<hbm>>) target(%arg8 : memref<80xi32, #tpu.memory_space<vmem>>) target_semaphore(%run_scoped3A : memref<!tpu.dma_semaphore, #tpu.memory_space<semaphore_mem>>)
        %dma_wait3A_46 = tpu.memref_slice %arg2[%add3A_31] : memref<640000xi32, #tpu.memory_space<hbm>> -> memref<80xi32, #tpu.memory_space<hbm>>
        %dma_wait3A_47 = tpu.memref_slice %arg2[%add3A_31] : memref<640000xi32, #tpu.memory_space<hbm>> -> memref<80xi32, #tpu.memory_space<hbm>>
        tpu.wait_dma2 semaphore(%run_scoped3A : memref<!tpu.dma_semaphore, #tpu.memory_space<semaphore_mem>>) src(%dma_wait3A_47 : memref<80xi32, #tpu.memory_space<hbm>>) dst(%arg8 : memref<80xi32, #tpu.memory_space<vmem>>)
        tpu.yield
      }) : () -> ()
      %dma_wait3A = arith.constant 0 : i32
      %dma_wait3A_32 = arith.constant 0 : i32
      %dma_wait3A_33 = tpu.memref_slice %arg11[%dma_wait3A, %dma_wait3A_32] : memref<10240x128xf32, #tpu.memory_space<vmem_shared>> -> memref<10240x128xf32, #tpu.memory_space<vmem_shared>>
      tpu.wait_indirect_dma semaphore(%arg12 : memref<!tpu.dma_semaphore, #tpu.memory_space<semaphore_mem>>) src(%arg10 : memref<80x128xf32, #tpu.memory_space<vmem>>) dst(%dma_wait3A_33 : memref<10240x128xf32, #tpu.memory_space<vmem_shared>>)
      %dma_start3A_34 = arith.constant 0 : i32
      %dma_start3A_35 = arith.constant 0 : i32
      %dma_start3A_36 = tpu.memref_slice %arg11[%dma_start3A_34, %dma_start3A_35] : memref<10240x128xf32, #tpu.memory_space<vmem_shared>> -> memref<10240x128xf32, #tpu.memory_space<vmem_shared>>
      tpu.enqueue_indirect_dma source(%arg10 : memref<80x128xf32, #tpu.memory_space<vmem>>) target(%dma_start3A_36 : memref<10240x128xf32, #tpu.memory_space<vmem_shared>>) offsets(%arg8 : memref<80xi32, #tpu.memory_space<vmem>>) semaphore(%arg13 : memref<!tpu.dma_semaphore, #tpu.memory_space<semaphore_mem>>) {add = true}
      %add3A_37 = arith.constant 160 : i32
      %add3A_38 = arith.addi %add3A_26, %add3A_37 : i32
      %lt3A = arith.constant 20000 : i32
      %lt3A_39 = arith.cmpi slt, %add3A_38, %lt3A : i32
      %jit3A = arith.constant 0 : i32
      %select_n3A = arith.select %lt3A_39, %add3A_38, %jit3A : i32
      %add3A_40 = arith.addi %add3A, %select_n3A : i32
      "tpu.region"() ({
        %run_scoped3A = tpu.sem_alloc : memref<!tpu.dma_semaphore, #tpu.memory_space<semaphore_mem>>
        %dma_start3A_44 = tpu.memref_slice %arg2[%add3A_40] : memref<640000xi32, #tpu.memory_space<hbm>> -> memref<80xi32, #tpu.memory_space<hbm>>
        %dma_start3A_45 = tpu.memref_slice %arg2[%add3A_40] : memref<640000xi32, #tpu.memory_space<hbm>> -> memref<80xi32, #tpu.memory_space<hbm>>
        tpu.enqueue_dma source(%dma_start3A_45 : memref<80xi32, #tpu.memory_space<hbm>>) target(%arg7 : memref<80xi32, #tpu.memory_space<vmem>>) target_semaphore(%run_scoped3A : memref<!tpu.dma_semaphore, #tpu.memory_space<semaphore_mem>>)
        %dma_wait3A_46 = tpu.memref_slice %arg2[%add3A_40] : memref<640000xi32, #tpu.memory_space<hbm>> -> memref<80xi32, #tpu.memory_space<hbm>>
        %dma_wait3A_47 = tpu.memref_slice %arg2[%add3A_40] : memref<640000xi32, #tpu.memory_space<hbm>> -> memref<80xi32, #tpu.memory_space<hbm>>
        tpu.wait_dma2 semaphore(%run_scoped3A : memref<!tpu.dma_semaphore, #tpu.memory_space<semaphore_mem>>) src(%dma_wait3A_47 : memref<80xi32, #tpu.memory_space<hbm>>) dst(%arg7 : memref<80xi32, #tpu.memory_space<vmem>>)
        tpu.yield
      }) : () -> ()
      %dma_wait3A_41 = arith.constant 0 : i32
      %dma_wait3A_42 = arith.constant 0 : i32
      %dma_wait3A_43 = tpu.memref_slice %arg11[%dma_wait3A_41, %dma_wait3A_42] : memref<10240x128xf32, #tpu.memory_space<vmem_shared>> -> memref<10240x128xf32, #tpu.memory_space<vmem_shared>>
      tpu.wait_indirect_dma semaphore(%arg13 : memref<!tpu.dma_semaphore, #tpu.memory_space<semaphore_mem>>) src(%arg10 : memref<80x128xf32, #tpu.memory_space<vmem>>) dst(%dma_wait3A_43 : memref<10240x128xf32, #tpu.memory_space<vmem_shared>>)
    }
    %scan3A_15 = arith.constant 125 : i32
    %barrier3A_16 = arith.constant 0 : index
    tpu.barrier barrier_id(%barrier3A_16)
    %scan3A_17 = arith.constant 0 : i32
    %scan3A_18 = arith.constant 8 : i32
    %scan3A_19 = arith.addi %scan3A_17, %scan3A_18 : i32
    %scan3A_20 = arith.constant 1 : i32
    scf.for %scan3A_22 = %scan3A_17 to %scan3A_19 step %scan3A_20  : i32 {
      %mul3A_23 = arith.constant 80 : i32
      %mul3A_24 = arith.muli %scan3A_22, %mul3A_23 : i32
      %add3A_25 = arith.constant 0 : i32
      %add3A_26 = arith.addi %add3A_25, %mul3A_24 : i32
      %add3A_27 = arith.addi %mul3A_0, %add3A_26 : i32
      "tpu.region"() ({
        %run_scoped3A = tpu.sem_alloc : memref<!tpu.dma_semaphore, #tpu.memory_space<semaphore_mem>>
        %dma_start3A = tpu.memref_slice %arg5[%add3A_27] : memref<10240xi32, #tpu.memory_space<hbm>> -> memref<80xi32, #tpu.memory_space<hbm>>
        %dma_start3A_30 = tpu.memref_slice %arg5[%add3A_27] : memref<10240xi32, #tpu.memory_space<hbm>> -> memref<80xi32, #tpu.memory_space<hbm>>
        tpu.enqueue_dma source(%dma_start3A_30 : memref<80xi32, #tpu.memory_space<hbm>>) target(%arg9 : memref<80xi32, #tpu.memory_space<vmem>>) target_semaphore(%run_scoped3A : memref<!tpu.dma_semaphore, #tpu.memory_space<semaphore_mem>>)
        %dma_wait3A = tpu.memref_slice %arg5[%add3A_27] : memref<10240xi32, #tpu.memory_space<hbm>> -> memref<80xi32, #tpu.memory_space<hbm>>
        %dma_wait3A_31 = tpu.memref_slice %arg5[%add3A_27] : memref<10240xi32, #tpu.memory_space<hbm>> -> memref<80xi32, #tpu.memory_space<hbm>>
        tpu.wait_dma2 semaphore(%run_scoped3A : memref<!tpu.dma_semaphore, #tpu.memory_space<semaphore_mem>>) src(%dma_wait3A_31 : memref<80xi32, #tpu.memory_space<hbm>>) dst(%arg9 : memref<80xi32, #tpu.memory_space<vmem>>)
        tpu.yield
      }) : () -> ()
      "tpu.region"() ({
        %run_scoped3A = tpu.sem_alloc : memref<!tpu.dma_semaphore, #tpu.memory_space<semaphore_mem>>
        %dma_start3A = arith.constant 0 : i32
        %dma_start3A_30 = arith.constant 0 : i32
        %dma_start3A_31 = tpu.memref_slice %arg11[%dma_start3A, %dma_start3A_30] : memref<10240x128xf32, #tpu.memory_space<vmem_shared>> -> memref<10240x128xf32, #tpu.memory_space<vmem_shared>>
        tpu.enqueue_indirect_dma source(%dma_start3A_31 : memref<10240x128xf32, #tpu.memory_space<vmem_shared>>) target(%arg10 : memref<80x128xf32, #tpu.memory_space<vmem>>) offsets(%arg9 : memref<80xi32, #tpu.memory_space<vmem>>) semaphore(%run_scoped3A : memref<!tpu.dma_semaphore, #tpu.memory_space<semaphore_mem>>)
        %dma_wait3A = arith.constant 0 : i32
        %dma_wait3A_32 = arith.constant 0 : i32
        %dma_wait3A_33 = tpu.memref_slice %arg11[%dma_wait3A, %dma_wait3A_32] : memref<10240x128xf32, #tpu.memory_space<vmem_shared>> -> memref<10240x128xf32, #tpu.memory_space<vmem_shared>>
        tpu.wait_indirect_dma semaphore(%run_scoped3A : memref<!tpu.dma_semaphore, #tpu.memory_space<semaphore_mem>>) src(%dma_wait3A_33 : memref<10240x128xf32, #tpu.memory_space<vmem_shared>>) dst(%arg10 : memref<80x128xf32, #tpu.memory_space<vmem>>)
        tpu.yield
      }) : () -> ()
      %add3A_28 = arith.addi %mul3A_2, %mul3A_0 : i32
      %add3A_29 = arith.addi %add3A_28, %add3A_26 : i32
      "tpu.region"() ({
        %run_scoped3A = tpu.sem_alloc : memref<!tpu.dma_semaphore, #tpu.memory_space<semaphore_mem>>
        %dma_start3A = arith.constant 0 : i32
        %dma_start3A_30 = tpu.memref_slice %arg6[%add3A_29, %dma_start3A] : memref<20480x128xf32, #tpu.memory_space<hbm>> -> memref<80x128xf32, #tpu.memory_space<hbm>>
        %dma_start3A_31 = arith.constant 0 : i32
        %dma_start3A_32 = tpu.memref_slice %arg6[%add3A_29, %dma_start3A_31] : memref<20480x128xf32, #tpu.memory_space<hbm>> -> memref<80x128xf32, #tpu.memory_space<hbm>>
        tpu.enqueue_dma source(%arg10 : memref<80x128xf32, #tpu.memory_space<vmem>>) target(%dma_start3A_32 : memref<80x128xf32, #tpu.memory_space<hbm>>) target_semaphore(%run_scoped3A : memref<!tpu.dma_semaphore, #tpu.memory_space<semaphore_mem>>)
        %dma_wait3A = arith.constant 0 : i32
        %dma_wait3A_33 = tpu.memref_slice %arg6[%add3A_29, %dma_wait3A] : memref<20480x128xf32, #tpu.memory_space<hbm>> -> memref<80x128xf32, #tpu.memory_space<hbm>>
        %dma_wait3A_34 = arith.constant 0 : i32
        %dma_wait3A_35 = tpu.memref_slice %arg6[%add3A_29, %dma_wait3A_34] : memref<20480x128xf32, #tpu.memory_space<hbm>> -> memref<80x128xf32, #tpu.memory_space<hbm>>
        tpu.wait_dma2 semaphore(%run_scoped3A : memref<!tpu.dma_semaphore, #tpu.memory_space<semaphore_mem>>) src(%arg10 : memref<80x128xf32, #tpu.memory_space<vmem>>) dst(%dma_wait3A_35 : memref<80x128xf32, #tpu.memory_space<hbm>>)
        tpu.yield
      }) : () -> ()
    }
    %scan3A_21 = arith.constant 8 : i32
    return
  }
}

module attributes {stable_mosaic.version = 14 : i64} {
  func.func @_l1_body(%arg0: i32, %arg1: memref<2000x128xf32, #tpu.memory_space<vmem>>, %arg2: memref<2000x128xf32, #tpu.memory_space<vmem>>, %arg3: memref<2000x16xf32, #tpu.memory_space<vmem>>, %arg4: memref<128x256xf32, #tpu.memory_space<vmem>>, %arg5: memref<128x256xf32, #tpu.memory_space<vmem>>, %arg6: memref<1x256xf32, #tpu.memory_space<vmem>>, %arg7: memref<256x64xf32, #tpu.memory_space<vmem>>, %arg8: memref<2000x256xf32, #tpu.memory_space<vmem>>, %arg9: memref<2000x64xf32, #tpu.memory_space<vmem>>) attributes {dimension_semantics = [#tpu.dimension_semantics<arbitrary>], iteration_bounds = array<i64: 5>, scalar_prefetch = 0 : i64, scratch_operands = 0 : i64, tpu.core_type = #tpu.core_type<tc>, window_params = [{transform_indices = @transform_0, window_bounds = array<i64: 2000, 128>}, {transform_indices = @transform_1, window_bounds = array<i64: 2000, 128>}, {transform_indices = @transform_2, window_bounds = array<i64: 2000, 16>}, {pipeline_mode = #tpu.pipeline_mode<synchronous>, transform_indices = @transform_3, window_bounds = array<i64: 128, 256>}, {pipeline_mode = #tpu.pipeline_mode<synchronous>, transform_indices = @transform_4, window_bounds = array<i64: 128, 256>}, {pipeline_mode = #tpu.pipeline_mode<synchronous>, transform_indices = @transform_5, window_bounds = array<i64: 1, 256>}, {pipeline_mode = #tpu.pipeline_mode<synchronous>, transform_indices = @transform_6, window_bounds = array<i64: 256, 64>}, {transform_indices = @transform_7, window_bounds = array<i64: 2000, 256>}, {transform_indices = @transform_8, window_bounds = array<i64: 2000, 64>}]} {
    %get3A = arith.constant 0 : index
    %get3A_0 = arith.constant 0 : index
    %get3A_1 = vector.load %arg3[%get3A, %get3A_0] : memref<2000x16xf32, #tpu.memory_space<vmem>>, vector<2000x1xf32>
    %max3A = arith.constant 1.000000e+00 : f32
    %max3A_2 = vector.broadcast %max3A : f32 to vector<2000x1xf32>
    %max3A_3 = arith.maximumf %get3A_1, %max3A_2 : vector<2000x1xf32>
    %div3A = arith.constant 1.000000e+00 : f32
    %div3A_4 = vector.broadcast %div3A : f32 to vector<2000x1xf32>
    %div3A_5 = arith.divf %div3A_4, %max3A_3 : vector<2000x1xf32>
    %get3A_6 = arith.constant 0 : index
    %get3A_7 = arith.constant 0 : index
    %get3A_8 = vector.load %arg2[%get3A_6, %get3A_7] : memref<2000x128xf32, #tpu.memory_space<vmem>>, vector<2000x128xf32>
    %mul3A = vector.broadcast %div3A_5 : vector<2000x1xf32> to vector<2000x128xf32>
    %mul3A_9 = arith.mulf %get3A_8, %mul3A : vector<2000x128xf32>
    %get3A_10 = arith.constant 0 : index
    %get3A_11 = arith.constant 0 : index
    %get3A_12 = vector.load %arg1[%get3A_10, %get3A_11] : memref<2000x128xf32, #tpu.memory_space<vmem>>, vector<2000x128xf32>
    %get3A_13 = arith.constant 0 : index
    %get3A_14 = arith.constant 0 : index
    %get3A_15 = vector.load %arg4[%get3A_13, %get3A_14] : memref<128x256xf32, #tpu.memory_space<vmem>>, vector<128x256xf32>
    %dot_general3A = arith.constant dense<0.000000e+00> : vector<2000x256xf32>
    %dot_general3A_16 = tpu.matmul %get3A_12, %get3A_15, %dot_general3A {dimension_numbers = #tpu.dot_dimension_numbers<[1], [0], [0], [1], [0, 0, 1, 1], [], []>, transpose_lhs_hint = false} : vector<2000x128xf32>, vector<128x256xf32>, vector<2000x256xf32> -> vector<2000x256xf32>
    %get3A_17 = arith.constant 0 : index
    %get3A_18 = arith.constant 0 : index
    %get3A_19 = vector.load %arg5[%get3A_17, %get3A_18] : memref<128x256xf32, #tpu.memory_space<vmem>>, vector<128x256xf32>
    %dot_general3A_20 = arith.constant dense<0.000000e+00> : vector<2000x256xf32>
    %dot_general3A_21 = tpu.matmul %mul3A_9, %get3A_19, %dot_general3A_20 {dimension_numbers = #tpu.dot_dimension_numbers<[1], [0], [0], [1], [0, 0, 1, 1], [], []>, transpose_lhs_hint = false} : vector<2000x128xf32>, vector<128x256xf32>, vector<2000x256xf32> -> vector<2000x256xf32>
    %add3A = arith.addf %dot_general3A_16, %dot_general3A_21 : vector<2000x256xf32>
    %get3A_22 = arith.constant 0 : index
    %get3A_23 = arith.constant 0 : index
    %get3A_24 = vector.load %arg6[%get3A_22, %get3A_23] : memref<1x256xf32, #tpu.memory_space<vmem>>, vector<1x256xf32>
    %add3A_25 = vector.broadcast %get3A_24 : vector<1x256xf32> to vector<2000x256xf32>
    %add3A_26 = arith.addf %add3A, %add3A_25 : vector<2000x256xf32>
    %max3A_27 = arith.constant 0.000000e+00 : f32
    %max3A_28 = vector.broadcast %max3A_27 : f32 to vector<2000x256xf32>
    %max3A_29 = arith.maximumf %add3A_26, %max3A_28 : vector<2000x256xf32>
    %swap3A = arith.constant 0 : index
    %swap3A_30 = arith.constant 0 : index
    %swap3A_31 = vector.load %arg8[%swap3A, %swap3A_30] : memref<2000x256xf32, #tpu.memory_space<vmem>>, vector<2000x256xf32>
    tpu.vector_store %arg8[%swap3A, %swap3A_30], %max3A_29 {strides = array<i32>} : memref<2000x256xf32, #tpu.memory_space<vmem>>, vector<2000x256xf32>,
    %get3A_32 = arith.constant 0 : index
    %get3A_33 = arith.constant 0 : index
    %get3A_34 = vector.load %arg7[%get3A_32, %get3A_33] : memref<256x64xf32, #tpu.memory_space<vmem>>, vector<256x64xf32>
    %dot_general3A_35 = arith.constant dense<0.000000e+00> : vector<2000x64xf32>
    %dot_general3A_36 = tpu.matmul %max3A_29, %get3A_34, %dot_general3A_35 {dimension_numbers = #tpu.dot_dimension_numbers<[1], [0], [0], [1], [0, 0, 1, 1], [], []>, transpose_lhs_hint = false} : vector<2000x256xf32>, vector<256x64xf32>, vector<2000x64xf32> -> vector<2000x64xf32>
    %swap3A_37 = arith.constant 0 : index
    %swap3A_38 = arith.constant 0 : index
    %swap3A_39 = vector.load %arg9[%swap3A_37, %swap3A_38] : memref<2000x64xf32, #tpu.memory_space<vmem>>, vector<2000x64xf32>
    tpu.vector_store %arg9[%swap3A_37, %swap3A_38], %dot_general3A_36 {strides = array<i32>} : memref<2000x64xf32, #tpu.memory_space<vmem>>, vector<2000x64xf32>,
    return
  }
  func.func @transform_0(%arg0: i32) -> (i32, i32) {
    %c0_i32 = arith.constant 0 : i32
    %c0_i32_0 = arith.constant 0 : i32
    return %arg0, %c0_i32 : i32, i32
  }
  func.func @transform_1(%arg0: i32) -> (i32, i32) {
    %c0_i32 = arith.constant 0 : i32
    %c0_i32_0 = arith.constant 0 : i32
    return %arg0, %c0_i32 : i32, i32
  }
  func.func @transform_2(%arg0: i32) -> (i32, i32) {
    %c0_i32 = arith.constant 0 : i32
    %c0_i32_0 = arith.constant 0 : i32
    return %arg0, %c0_i32 : i32, i32
  }
  func.func @transform_3(%arg0: i32) -> (i32, i32) {
    %c0_i32 = arith.constant 0 : i32
    %c0_i32_0 = arith.constant 0 : i32
    %c0_i32_1 = arith.constant 0 : i32
    return %c0_i32, %c0_i32_0 : i32, i32
  }
  func.func @transform_4(%arg0: i32) -> (i32, i32) {
    %c0_i32 = arith.constant 0 : i32
    %c0_i32_0 = arith.constant 0 : i32
    %c0_i32_1 = arith.constant 0 : i32
    return %c0_i32, %c0_i32_0 : i32, i32
  }
  func.func @transform_5(%arg0: i32) -> (i32, i32) {
    %c0_i32 = arith.constant 0 : i32
    %c0_i32_0 = arith.constant 0 : i32
    %c0_i32_1 = arith.constant 0 : i32
    return %c0_i32, %c0_i32_0 : i32, i32
  }
  func.func @transform_6(%arg0: i32) -> (i32, i32) {
    %c0_i32 = arith.constant 0 : i32
    %c0_i32_0 = arith.constant 0 : i32
    %c0_i32_1 = arith.constant 0 : i32
    return %c0_i32, %c0_i32_0 : i32, i32
  }
  func.func @transform_7(%arg0: i32) -> (i32, i32) {
    %c0_i32 = arith.constant 0 : i32
    %c0_i32_0 = arith.constant 0 : i32
    return %arg0, %c0_i32 : i32, i32
  }
  func.func @transform_8(%arg0: i32) -> (i32, i32) {
    %c0_i32 = arith.constant 0 : i32
    %c0_i32_0 = arith.constant 0 : i32
    return %arg0, %c0_i32 : i32, i32
  }
}

module attributes {stable_mosaic.version = 14 : i64} {
  func.func @_l2_body(%arg0: i32, %arg1: memref<2000x256xf32, #tpu.memory_space<vmem>>, %arg2: memref<2000x64xf32, #tpu.memory_space<vmem>>, %arg3: memref<2000x16xf32, #tpu.memory_space<vmem>>, %arg4: memref<256x64xf32, #tpu.memory_space<vmem>>, %arg5: memref<1x64xf32, #tpu.memory_space<vmem>>, %arg6: memref<2000x256xf32, #tpu.memory_space<vmem>>, %arg7: memref<2000x64xf32, #tpu.memory_space<vmem>>, %arg8: memref<2000x16xf32, #tpu.memory_space<vmem>>, %arg9: memref<256x64xf32, #tpu.memory_space<vmem>>, %arg10: memref<1x64xf32, #tpu.memory_space<vmem>>, %arg11: memref<64x256xf32, #tpu.memory_space<vmem>>, %arg12: memref<64x256xf32, #tpu.memory_space<vmem>>, %arg13: memref<1x256xf32, #tpu.memory_space<vmem>>, %arg14: memref<1x256xf32, #tpu.memory_space<vmem>>, %arg15: memref<1x1xf32, #tpu.memory_space<vmem>>, %arg16: memref<2000x1xf32, #tpu.memory_space<vmem>>) attributes {dimension_semantics = [#tpu.dimension_semantics<arbitrary>], iteration_bounds = array<i64: 5>, scalar_prefetch = 0 : i64, scratch_operands = 0 : i64, tpu.core_type = #tpu.core_type<tc>, window_params = [{transform_indices = @transform_0, window_bounds = array<i64: 2000, 256>}, {transform_indices = @transform_1, window_bounds = array<i64: 2000, 64>}, {transform_indices = @transform_2, window_bounds = array<i64: 2000, 16>}, {pipeline_mode = #tpu.pipeline_mode<synchronous>, transform_indices = @transform_3, window_bounds = array<i64: 256, 64>}, {pipeline_mode = #tpu.pipeline_mode<synchronous>, transform_indices = @transform_4, window_bounds = array<i64: 1, 64>}, {transform_indices = @transform_5, window_bounds = array<i64: 2000, 256>}, {transform_indices = @transform_6, window_bounds = array<i64: 2000, 64>}, {transform_indices = @transform_7, window_bounds = array<i64: 2000, 16>}, {pipeline_mode = #tpu.pipeline_mode<synchronous>, transform_indices = @transform_8, window_bounds = array<i64: 256, 64>}, {pipeline_mode = #tpu.pipeline_mode<synchronous>, transform_indices = @transform_9, window_bounds = array<i64: 1, 64>}, {pipeline_mode = #tpu.pipeline_mode<synchronous>, transform_indices = @transform_10, window_bounds = array<i64: 64, 256>}, {pipeline_mode = #tpu.pipeline_mode<synchronous>, transform_indices = @transform_11, window_bounds = array<i64: 64, 256>}, {pipeline_mode = #tpu.pipeline_mode<synchronous>, transform_indices = @transform_12, window_bounds = array<i64: 1, 256>}, {pipeline_mode = #tpu.pipeline_mode<synchronous>, transform_indices = @transform_13, window_bounds = array<i64: 1, 256>}, {pipeline_mode = #tpu.pipeline_mode<synchronous>, transform_indices = @transform_14, window_bounds = array<i64: 1, 1>}, {transform_indices = @transform_15, window_bounds = array<i64: 2000, 1>}]} {
    %get3A = arith.constant 0 : index
    %get3A_0 = arith.constant 0 : index
    %get3A_1 = vector.load %arg3[%get3A, %get3A_0] : memref<2000x16xf32, #tpu.memory_space<vmem>>, vector<2000x1xf32>
    %max3A = arith.constant 1.000000e+00 : f32
    %max3A_2 = vector.broadcast %max3A : f32 to vector<2000x1xf32>
    %max3A_3 = arith.maximumf %get3A_1, %max3A_2 : vector<2000x1xf32>
    %div3A = arith.constant 1.000000e+00 : f32
    %div3A_4 = vector.broadcast %div3A : f32 to vector<2000x1xf32>
    %div3A_5 = arith.divf %div3A_4, %max3A_3 : vector<2000x1xf32>
    %get3A_6 = arith.constant 0 : index
    %get3A_7 = arith.constant 0 : index
    %get3A_8 = vector.load %arg8[%get3A_6, %get3A_7] : memref<2000x16xf32, #tpu.memory_space<vmem>>, vector<2000x1xf32>
    %max3A_9 = arith.constant 1.000000e+00 : f32
    %max3A_10 = vector.broadcast %max3A_9 : f32 to vector<2000x1xf32>
    %max3A_11 = arith.maximumf %get3A_8, %max3A_10 : vector<2000x1xf32>
    %div3A_12 = arith.constant 1.000000e+00 : f32
    %div3A_13 = vector.broadcast %div3A_12 : f32 to vector<2000x1xf32>
    %div3A_14 = arith.divf %div3A_13, %max3A_11 : vector<2000x1xf32>
    %get3A_15 = arith.constant 0 : index
    %get3A_16 = arith.constant 0 : index
    %get3A_17 = vector.load %arg1[%get3A_15, %get3A_16] : memref<2000x256xf32, #tpu.memory_space<vmem>>, vector<2000x256xf32>
    %get3A_18 = arith.constant 0 : index
    %get3A_19 = arith.constant 0 : index
    %get3A_20 = vector.load %arg4[%get3A_18, %get3A_19] : memref<256x64xf32, #tpu.memory_space<vmem>>, vector<256x64xf32>
    %dot_general3A = arith.constant dense<0.000000e+00> : vector<2000x64xf32>
    %dot_general3A_21 = tpu.matmul %get3A_17, %get3A_20, %dot_general3A {dimension_numbers = #tpu.dot_dimension_numbers<[1], [0], [0], [1], [0, 0, 1, 1], [], []>, transpose_lhs_hint = false} : vector<2000x256xf32>, vector<256x64xf32>, vector<2000x64xf32> -> vector<2000x64xf32>
    %get3A_22 = arith.constant 0 : index
    %get3A_23 = arith.constant 0 : index
    %get3A_24 = vector.load %arg2[%get3A_22, %get3A_23] : memref<2000x64xf32, #tpu.memory_space<vmem>>, vector<2000x64xf32>
    %mul3A = vector.broadcast %div3A_5 : vector<2000x1xf32> to vector<2000x64xf32>
    %mul3A_25 = arith.mulf %get3A_24, %mul3A : vector<2000x64xf32>
    %add3A = arith.addf %dot_general3A_21, %mul3A_25 : vector<2000x64xf32>
    %get3A_26 = arith.constant 0 : index
    %get3A_27 = arith.constant 0 : index
    %get3A_28 = vector.load %arg5[%get3A_26, %get3A_27] : memref<1x64xf32, #tpu.memory_space<vmem>>, vector<1x64xf32>
    %add3A_29 = vector.broadcast %get3A_28 : vector<1x64xf32> to vector<2000x64xf32>
    %add3A_30 = arith.addf %add3A, %add3A_29 : vector<2000x64xf32>
    %get3A_31 = arith.constant 0 : index
    %get3A_32 = arith.constant 0 : index
    %get3A_33 = vector.load %arg6[%get3A_31, %get3A_32] : memref<2000x256xf32, #tpu.memory_space<vmem>>, vector<2000x256xf32>
    %get3A_34 = arith.constant 0 : index
    %get3A_35 = arith.constant 0 : index
    %get3A_36 = vector.load %arg9[%get3A_34, %get3A_35] : memref<256x64xf32, #tpu.memory_space<vmem>>, vector<256x64xf32>
    %dot_general3A_37 = arith.constant dense<0.000000e+00> : vector<2000x64xf32>
    %dot_general3A_38 = tpu.matmul %get3A_33, %get3A_36, %dot_general3A_37 {dimension_numbers = #tpu.dot_dimension_numbers<[1], [0], [0], [1], [0, 0, 1, 1], [], []>, transpose_lhs_hint = false} : vector<2000x256xf32>, vector<256x64xf32>, vector<2000x64xf32> -> vector<2000x64xf32>
    %get3A_39 = arith.constant 0 : index
    %get3A_40 = arith.constant 0 : index
    %get3A_41 = vector.load %arg7[%get3A_39, %get3A_40] : memref<2000x64xf32, #tpu.memory_space<vmem>>, vector<2000x64xf32>
    %mul3A_42 = vector.broadcast %div3A_14 : vector<2000x1xf32> to vector<2000x64xf32>
    %mul3A_43 = arith.mulf %get3A_41, %mul3A_42 : vector<2000x64xf32>
    %add3A_44 = arith.addf %dot_general3A_38, %mul3A_43 : vector<2000x64xf32>
    %get3A_45 = arith.constant 0 : index
    %get3A_46 = arith.constant 0 : index
    %get3A_47 = vector.load %arg10[%get3A_45, %get3A_46] : memref<1x64xf32, #tpu.memory_space<vmem>>, vector<1x64xf32>
    %add3A_48 = vector.broadcast %get3A_47 : vector<1x64xf32> to vector<2000x64xf32>
    %add3A_49 = arith.addf %add3A_44, %add3A_48 : vector<2000x64xf32>
    %get3A_50 = arith.constant 0 : index
    %get3A_51 = arith.constant 0 : index
    %get3A_52 = vector.load %arg11[%get3A_50, %get3A_51] : memref<64x256xf32, #tpu.memory_space<vmem>>, vector<64x256xf32>
    %dot_general3A_53 = arith.constant dense<0.000000e+00> : vector<2000x256xf32>
    %dot_general3A_54 = tpu.matmul %add3A_30, %get3A_52, %dot_general3A_53 {dimension_numbers = #tpu.dot_dimension_numbers<[1], [0], [0], [1], [0, 0, 1, 1], [], []>, transpose_lhs_hint = false} : vector<2000x64xf32>, vector<64x256xf32>, vector<2000x256xf32> -> vector<2000x256xf32>
    %get3A_55 = arith.constant 0 : index
    %get3A_56 = arith.constant 0 : index
    %get3A_57 = vector.load %arg12[%get3A_55, %get3A_56] : memref<64x256xf32, #tpu.memory_space<vmem>>, vector<64x256xf32>
    %dot_general3A_58 = arith.constant dense<0.000000e+00> : vector<2000x256xf32>
    %dot_general3A_59 = tpu.matmul %add3A_49, %get3A_57, %dot_general3A_58 {dimension_numbers = #tpu.dot_dimension_numbers<[1], [0], [0], [1], [0, 0, 1, 1], [], []>, transpose_lhs_hint = false} : vector<2000x64xf32>, vector<64x256xf32>, vector<2000x256xf32> -> vector<2000x256xf32>
    %add3A_60 = arith.addf %dot_general3A_54, %dot_general3A_59 : vector<2000x256xf32>
    %get3A_61 = arith.constant 0 : index
    %get3A_62 = arith.constant 0 : index
    %get3A_63 = vector.load %arg13[%get3A_61, %get3A_62] : memref<1x256xf32, #tpu.memory_space<vmem>>, vector<1x256xf32>
    %add3A_64 = vector.broadcast %get3A_63 : vector<1x256xf32> to vector<2000x256xf32>
    %add3A_65 = arith.addf %add3A_60, %add3A_64 : vector<2000x256xf32>
    %max3A_66 = arith.constant 0.000000e+00 : f32
    %max3A_67 = vector.broadcast %max3A_66 : f32 to vector<2000x256xf32>
    %max3A_68 = arith.maximumf %add3A_65, %max3A_67 : vector<2000x256xf32>
    %get3A_69 = arith.constant 0 : index
    %get3A_70 = arith.constant 0 : index
    %get3A_71 = vector.load %arg14[%get3A_69, %get3A_70] : memref<1x256xf32, #tpu.memory_space<vmem>>, vector<1x256xf32>
    %mul3A_72 = vector.broadcast %get3A_71 : vector<1x256xf32> to vector<2000x256xf32>
    %mul3A_73 = arith.mulf %max3A_68, %mul3A_72 : vector<2000x256xf32>
    %reduce_sum3A = arith.constant dense<0.000000e+00> : vector<2000xf32>
    %reduce_sum3A_74 = vector.multi_reduction <add>, %mul3A_73, %reduce_sum3A [1] : vector<2000x256xf32> to vector<2000xf32>
    %broadcast_in_dim3A = vector.shape_cast %reduce_sum3A_74 : vector<2000xf32> to vector<2000x1xf32>
    %get3A_75 = arith.constant 0 : index
    %get3A_76 = arith.constant 0 : index
    %get3A_77 = vector.load %arg15[%get3A_75, %get3A_76] : memref<1x1xf32, #tpu.memory_space<vmem>>, vector<1x1xf32>
    %add3A_78 = vector.broadcast %get3A_77 : vector<1x1xf32> to vector<2000x1xf32>
    %add3A_79 = arith.addf %broadcast_in_dim3A, %add3A_78 : vector<2000x1xf32>
    %logistic3A = arith.negf %add3A_79 : vector<2000x1xf32>
    %logistic3A_80 = math.exp %logistic3A : vector<2000x1xf32>
    %logistic3A_81 = arith.constant 1.000000e+00 : f32
    %logistic3A_82 = vector.broadcast %logistic3A_81 : f32 to vector<2000x1xf32>
    %logistic3A_83 = arith.addf %logistic3A_82, %logistic3A_80 : vector<2000x1xf32>
    %logistic3A_84 = arith.divf %logistic3A_82, %logistic3A_83 : vector<2000x1xf32>
    %swap3A = arith.constant 0 : index
    %swap3A_85 = arith.constant 0 : index
    %swap3A_86 = vector.load %arg16[%swap3A, %swap3A_85] : memref<2000x1xf32, #tpu.memory_space<vmem>>, vector<2000x1xf32>
    tpu.vector_store %arg16[%swap3A, %swap3A_85], %logistic3A_84 {strides = array<i32>} : memref<2000x1xf32, #tpu.memory_space<vmem>>, vector<2000x1xf32>,
    return
  }
  func.func @transform_0(%arg0: i32) -> (i32, i32) {
    %c0_i32 = arith.constant 0 : i32
    %c0_i32_0 = arith.constant 0 : i32
    return %arg0, %c0_i32 : i32, i32
  }
  func.func @transform_1(%arg0: i32) -> (i32, i32) {
    %c0_i32 = arith.constant 0 : i32
    %c0_i32_0 = arith.constant 0 : i32
    return %arg0, %c0_i32 : i32, i32
  }
  func.func @transform_2(%arg0: i32) -> (i32, i32) {
    %c0_i32 = arith.constant 0 : i32
    %c0_i32_0 = arith.constant 0 : i32
    return %arg0, %c0_i32 : i32, i32
  }
  func.func @transform_3(%arg0: i32) -> (i32, i32) {
    %c0_i32 = arith.constant 0 : i32
    %c0_i32_0 = arith.constant 0 : i32
    %c0_i32_1 = arith.constant 0 : i32
    return %c0_i32, %c0_i32_0 : i32, i32
  }
  func.func @transform_4(%arg0: i32) -> (i32, i32) {
    %c0_i32 = arith.constant 0 : i32
    %c0_i32_0 = arith.constant 0 : i32
    %c0_i32_1 = arith.constant 0 : i32
    return %c0_i32, %c0_i32_0 : i32, i32
  }
  func.func @transform_5(%arg0: i32) -> (i32, i32) {
    %c0_i32 = arith.constant 0 : i32
    %c0_i32_0 = arith.constant 0 : i32
    return %arg0, %c0_i32 : i32, i32
  }
  func.func @transform_6(%arg0: i32) -> (i32, i32) {
    %c0_i32 = arith.constant 0 : i32
    %c0_i32_0 = arith.constant 0 : i32
    return %arg0, %c0_i32 : i32, i32
  }
  func.func @transform_7(%arg0: i32) -> (i32, i32) {
    %c0_i32 = arith.constant 0 : i32
    %c0_i32_0 = arith.constant 0 : i32
    return %arg0, %c0_i32 : i32, i32
  }
  func.func @transform_8(%arg0: i32) -> (i32, i32) {
    %c0_i32 = arith.constant 0 : i32
    %c0_i32_0 = arith.constant 0 : i32
    %c0_i32_1 = arith.constant 0 : i32
    return %c0_i32, %c0_i32_0 : i32, i32
  }
  func.func @transform_9(%arg0: i32) -> (i32, i32) {
    %c0_i32 = arith.constant 0 : i32
    %c0_i32_0 = arith.constant 0 : i32
    %c0_i32_1 = arith.constant 0 : i32
    return %c0_i32, %c0_i32_0 : i32, i32
  }
  func.func @transform_10(%arg0: i32) -> (i32, i32) {
    %c0_i32 = arith.constant 0 : i32
    %c0_i32_0 = arith.constant 0 : i32
    %c0_i32_1 = arith.constant 0 : i32
    return %c0_i32, %c0_i32_0 : i32, i32
  }
  func.func @transform_11(%arg0: i32) -> (i32, i32) {
    %c0_i32 = arith.constant 0 : i32
    %c0_i32_0 = arith.constant 0 : i32
    %c0_i32_1 = arith.constant 0 : i32
    return %c0_i32, %c0_i32_0 : i32, i32
  }
  func.func @transform_12(%arg0: i32) -> (i32, i32) {
    %c0_i32 = arith.constant 0 : i32
    %c0_i32_0 = arith.constant 0 : i32
    %c0_i32_1 = arith.constant 0 : i32
    return %c0_i32, %c0_i32_0 : i32, i32
  }
  func.func @transform_13(%arg0: i32) -> (i32, i32) {
    %c0_i32 = arith.constant 0 : i32
    %c0_i32_0 = arith.constant 0 : i32
    %c0_i32_1 = arith.constant 0 : i32
    return %c0_i32, %c0_i32_0 : i32, i32
  }
  func.func @transform_14(%arg0: i32) -> (i32, i32) {
    %c0_i32 = arith.constant 0 : i32
    %c0_i32_0 = arith.constant 0 : i32
    %c0_i32_1 = arith.constant 0 : i32
    return %c0_i32, %c0_i32_0 : i32, i32
  }
  func.func @transform_15(%arg0: i32) -> (i32, i32) {
    %c0_i32 = arith.constant 0 : i32
    %c0_i32_0 = arith.constant 0 : i32
    return %arg0, %c0_i32 : i32, i32
  }
}

</mosaic_0001>

<sc_bundles>
// kernel: kernel.11.cloned.1.call-start
scs
__scs_entry_jumppad:
0x0: {  	(pc) =	sbr.rel $0x88, $3  }
0x1: {  	(tag) =	ssettag $0x0;
	lr =	simm.s32 $0x1  }
0x2: {  	[smem:$0x3F8D] =	sst lr;
	_ =	strace $0xD0000000  }
0x3: {  	_ = 	snop  }
0x4: {  	_ = 	snop  }
0x5: {  	_ = 	snop  }
0x6: {  	_ = 	snop  }
0x7: {  	_ = 	snop  }
__scs_overlays_trampoline_lowered:
0x8: {  	[smem:$0x3F9C] =	sst s0  }
0x9: {  	[smem:$0x3F9D] =	sst s1  }
0xa: {  	[smem:$0x3F9E] =	sst s2  }
0xb: {  	[smem:$0x3F9F] =	sst s3  }
0xc: {  	[smem:$0x3FA0] =	sst s4  }
0xd: {  	[smem:$0x3FA1] =	sst s5  }
0xe: {  	[smem:$0x3FA2] =	sst s6  }
0xf: {  	[smem:$0x3FA3] =	sst s7  }
0x10: {  	[smem:$0x3FA4] =	sst s8  }
0x11: {  	[smem:$0x3FA5] =	sst s9;
	s0 =	simm.s32 @!p0 $0x0  }
0x12: {  	s1 =	sld [smem:$0x3F8B];
	s0 =	simm.s32 @p0 $0x1  }
0x13: {  	[smem:$0x3FA6] =	sst s0;
	s0 =	simm.s32 @!p1 $0x0  }
0x14: {  	s2 =	sld [smem:$0x3F8A];
	s0 =	simm.s32 @p1 $0x1  }
0x15: {  	[smem:$0x3FA7] =	sst s0;
	s0 =	simm.s32 @!p2 $0x0  }
0x16: {  	s3 =	sld [smem:$0x3FDB];
	s0 =	simm.s32 @p2 $0x1  }
0x17: {  	s4 =	simm.s32 $0x1BF5;
	[smem:$0x3FA9] =	sst s0  }
0x18: {  	s0 =	sld [smem:$0x3F8C];
	_ =	swait.ge [sflag:s4], $0x0  }
0x19: {  	s7 =	sld [smem:$0x3F8D]  }
0x1a: {  	s8 =	sadd.s32 $0xFFFFE003, lr  }
0x1b: {  	s9 =	sadd.s32 $0xFFFFFEF7, lr;
	s5 =	simm.s32 $0xFFFFFFFF;
	p2 =	slt.u32 s8, $0xFFFFF086  }
0x1c: {  	p1 =	slt.u32 s9, $0xF7A;
	s5 =	simm.s32 @!p2 $0x0  }
0x1d: {  	s5 =	simm.s32 @p1 $0x1;
	p0 =	seq.s32 s7, s2  }
0x1e: {  	s7 =	smul.u32 @!p0 $0xF7A, s2;
	p2 =	seq.s32 @!p0 s5, $0x0  }
0x1f: {  	s9 =	smul.u32 $0xF7A, s1;
	s8 =	simm.s32 @!p0 $0x1BF5;
	p2 =	por !p2, p0  }
0x20: {  	[sflag:s8] =	ssyncset.s32 @!p0 $0xFFFFF086;
	s6 =	sadd.s32 @!p0 s3, s7;
	s7 =	simm.s32 @!p0 $0x108  }
0x21: {  	s3 =	sadd.s32 s3, s9;
	s6 =	sadd.s32 @!p0 $0x88, s6;
	s7 =	simm.s32 @p2 $0x1082  }
0x22: {  	[simem:s7], [sflag:s8] =	dma.local @!p0 [hbm:s6], $0xF7A  }
0x23: {  	s9 =	sor.u32 $0xD0000000, s2;
	s6 =	simm.s32 $0x108;
	_ =	swait.ge @!p0 [sflag:s8], $0x0  }
0x24: {  	s3 =	sadd.s32 $0x88, s3;
	s6 =	simm.s32 @!p1 $0x1082;
	[sflag:s4] =	ssyncset.s32 $0xFFFFF086  }
0x25: {  	[simem:s6], [sflag:s4] =	dma.local [hbm:s3], $0xF7A  }
0x26: {  	[smem:$0x3F8D] =	sst s1;
	(tag) =	ssettag s2;
	_ =	strace s9  }
0x27: {  	s1 =	sld [smem:$0x3F9D]  }
0x28: {  	s2 =	sld [smem:$0x3F9E]  }
0x29: {  	s4 =	sld [smem:$0x3FA0]  }
0x2a: {  	p0 =	seq.s32 s5, $0x0;
	s5 =	sld [smem:$0x3FA1]  }
0x2b: {  	s6 =	sld [smem:$0x3FA2]  }
0x2c: {  	s7 =	sld [smem:$0x3FA3]  }
0x2d: {  	s3 =	simm.s32 $0x108;
	s8 =	sld [smem:$0x3FA4]  }
0x2e: {  	s3 =	simm.s32 @!p0 $0x1082;
	s9 =	sld [smem:$0x3FA5]  }
0x2f: {  	lr =	sadd.s32 s0, s3;
	s0 =	sld [smem:$0x3F9C]  }
0x30: {  	s3 =	sld [smem:$0x3F9F]  }
0x31: {  	[smem:$0x3FA8] =	sst s10  }
0x32: {  	s10 =	sld [smem:$0x3FA6];
	_ =	sdelay $0x3  }
0x33: {  	p0 =	seq.s32 s10, $0x1;
	s10 =	sld [smem:$0x3FA8];
	_ =	sdelay $0x3  }
0x34: {  	[smem:$0x3FA8] =	sst s10  }
0x35: {  	s10 =	sld [smem:$0x3FA7];
	_ =	sdelay $0x3  }
0x36: {  	p1 =	seq.s32 s10, $0x1;
	s10 =	sld [smem:$0x3FA8];
	_ =	sdelay $0x3  }
0x37: {  	[smem:$0x3FA8] =	sst s10  }
0x38: {  	s10 =	sld [smem:$0x3FA9]  }
0x39: {  	_ = 	snop;
	(pc) =	sbr.ind lr, $3  }
0x3a: {  	_ = 	snop  }
0x3b: {  	_ = 	snop  }
0x3c: {  	p2 =	seq.s32 s10, $0x1;
	s10 =	sld [smem:$0x3FA8]  }
0x3d: {  	_ =	shalt  }
0x3e: {  	_ =	shalt  }
0x3f: {  	_ =	shalt  }
0x40: {  	_ =	shalt  }
0x41: {  	_ =	shalt  }
0x42: {  	_ =	shalt  }
0x43: {  	_ =	shalt  }
0x44: {  	_ =	shalt  }
0x45: {  	_ =	shalt  }
0x46: {  	_ =	shalt  }
0x47: {  	_ =	shalt  }
0x48: {  	_ =	shalt  }
0x49: {  	_ =	shalt  }
0x4a: {  	_ =	shalt  }
0x4b: {  	_ =	shalt  }
0x4c: {  	_ =	shalt  }
0x4d: {  	_ =	shalt  }
0x4e: {  	_ =	shalt  }
0x4f: {  	_ =	shalt  }
0x50: {  	_ =	shalt  }
0x51: {  	_ =	shalt  }
0x52: {  	_ =	shalt  }
0x53: {  	_ =	shalt  }
0x54: {  	_ =	shalt  }
0x55: {  	_ =	shalt  }
0x56: {  	_ =	shalt  }
0x57: {  	_ =	shalt  }
0x58: {  	_ =	shalt  }
0x59: {  	_ =	shalt  }
0x5a: {  	_ =	shalt  }
0x5b: {  	_ =	shalt  }
0x5c: {  	_ =	shalt  }
0x5d: {  	_ =	shalt  }
0x5e: {  	_ =	shalt  }
0x5f: {  	_ =	shalt  }
0x60: {  	_ =	shalt  }
0x61: {  	_ =	shalt  }
0x62: {  	_ =	shalt  }
0x63: {  	_ =	shalt  }
0x64: {  	_ =	shalt  }
0x65: {  	_ =	shalt  }
0x66: {  	_ =	shalt  }
0x67: {  	_ =	shalt  }
0x68: {  	_ =	shalt  }
0x69: {  	_ =	shalt  }
0x6a: {  	_ =	shalt  }
0x6b: {  	_ =	shalt  }
0x6c: {  	_ =	shalt  }
0x6d: {  	_ =	shalt  }
0x6e: {  	_ =	shalt  }
0x6f: {  	_ =	shalt  }
0x70: {  	_ =	shalt  }
0x71: {  	_ =	shalt  }
0x72: {  	_ =	shalt  }
0x73: {  	_ =	shalt  }
0x74: {  	_ =	shalt  }
0x75: {  	_ =	shalt  }
0x76: {  	_ =	shalt  }
0x77: {  	_ =	shalt  }
0x78: {  	_ =	shalt  }
0x79: {  	_ =	shalt  }
0x7a: {  	_ =	shalt  }
0x7b: {  	_ =	shalt  }
0x7c: {  	_ =	shalt  }
0x7d: {  	_ =	shalt  }
0x7e: {  	_ =	shalt  }
0x7f: {  	_ =	shalt  }
0x80: {  	_ =	shalt  }
0x81: {  	_ =	shalt  }
0x82: {  	_ =	shalt  }
0x83: {  	_ =	shalt  }
0x84: {  	_ =	shalt  }
0x85: {  	_ =	shalt  }
0x86: {  	_ =	shalt  }
0x87: {  	_ =	shalt  }
.Lfunc_end0:
.L_simem_size_0:
called_computation.1_lowered:
.L_overlay_start_0:
0x88: {  	s2 =	sld [smem:$0x3FD9]  }
0x89: {  	s3 =	sld [smem:$0x3FFE];
	_ =	sdelay $0x1  }
0x8a: {  	s1 =	srdreg.scid  }
0x8b: {  	s0 =	sand.u32 $0x1, s1  }
0x8c: {  	s17 =	sshll.u32 s0, $0xA;
	s2 =	sadd.s32 s3, s2  }
0x8d: {  	s2 =	sadd.s32 s2, s17  }
0x8e: {  	[smem:$0x3FB4] =	sst s2  }
0x8f: {  	_ = 	snop  }
0x90: {  	s2 =	sld [smem:$0x3FD0];
	(tm) =	ssettm $0x1  }
0x91: {  	s18 =	sld [smem:$0x3FFB];
	_ =	sdelay $0x3  }
0x92: {  	_ =	strace s18  }
0x93: {  	s3 =	sld [smem:$0x3FFC];
	_ =	sdelay $0x3  }
0x94: {  	_ =	strace s3  }
0x95: {  	s3 =	sld [smem:$0x3FFD];
	_ =	sdelay $0x3  }
0x96: {  	_ =	strace s3  }
0x97: {  	_ =	strace $0x8FFFFFFF  }
0x98: {  	s19 =	sld [smem:$0x3FDB];
	_ =	sdelay $0x1  }
0x99: {  	s4 =	simm.s32 $_scs_section_size  }
0x9a: {  	s5 =	simm.s32 $_size__tile_overlayer_lowered;
	s6 =	simm.s32 $_tile_overlayer_lowered  }
0x9b: {  	s22 =	simm.s32 $0x1BFF;
	s21 =	sshll.u32 s6, $0x1;
	s3 =	sadd.s32 s4, s19  }
0x9c: {  	s7 =	simm.s32 $0x0;
	s20 =	sshll.u32 s5, $0x1;
	s5 =	sadd.s32 s21, s3  }
0x9d: {  	[timem:s7], [sflag:s22] =	dma.local [hbm:s5], s20  }
0x9e: {  	_ =	swait.ge [sflag:s22], s20  }
0x9f: {  	s4 =	ssub.s32 $0x0, s20;
	[sflag:s22] =	ssyncset.done $0x0  }
0xa0: {  	[sflag:s22] =	ssyncadd.s32 s4;
	_ =	sdelay $0x1  }
0xa1: {  	s23 =	simm.s32 $0x1B8B  }
0xa2: {  	_ =	swait.ge [sflag:s23], $0x1  }
0xa3: {  	[sflag:s23] =	ssyncset.done $0x0  }
0xa4: {  	s25 =	simm.s32 $0x1B8E;
	s24 =	sld [smem:$0x3FFE];
	[sflag:s23] =	ssyncadd.s32 $0xFFFFFFFF  }
0xa5: {  	s26 =	simm.s32 $execute0_lowered;
	[smem:$0x3FD2] =	sst s25  }
0xa6: {  	s5 =	sshll.u32 s26, $0x1;
	_ =	strace $0x80000046;
	[dreg:$0x1] =	wrdreg $0xFFFFFFFF  }
0xa7: {  	s28 =	simm.s32 $_size_execute0_lowered;
	s3 =	sadd.s32 s3, s5;
	[dreg:$0x0] =	wrdreg $0x0  }
0xa8: {  	s5 =	sshll.u32 s28, $0x1;
	[dreg:$0x2] =	wrdreg s3  }
0xa9: {  	[dreg:$0x3] =	wrdreg s5  }
0xaa: {  	[dreg:$0x4] =	wrdreg $0xC0  }
0xab: {  	_ =	task [dreg:s7], $0x5FFFF  }
0xac: {  	[dreg:$0x1] =	wrdreg $0xFFFFFFFF  }
0xad: {  	[dreg:$0x0] =	wrdreg $0x60  }
0xae: {  	[dreg:$0x2] =	wrdreg s24  }
0xaf: {  	[dreg:$0x3] =	wrdreg s2  }
0xb0: {  	[dreg:$0x4] =	wrdreg $0x52800  }
0xb1: {  	[dreg:$0x5] =	wrdreg $0xA  }
0xb2: {  	_ =	task.clear_ibuf [dreg:s7], $0x6FFFF;
	_ =	strace $0x90000046  }
0xb3: {  	s29 =	simm.s32 $0xA;
	_ =	strace $0x80000048  }
0xb4: {  	_ =	swait.ge [sflag:s29], $0x1  }
0xb5: {  	[sflag:s29] =	ssyncadd.s32 $0xFFFFFFFF  }
0xb6: {  	_ =	strace $0x90000048  }
0xb7: {  	_ =	sfence  }
0xb8: {  	s30 =	sld [smem:$0x0];
	_ =	sdelay $0x2  }
0xb9: {  	s31 =	sshll.u32 s1, $0xD;
	s1 =	sshrl.u32 s1, $0x2  }
0xba: {  	s3 =	sand.u32 $0x4000, s31;
	s1 =	sadd.s32 s1, s30  }
0xbb: {  	s0 =	sor.u32 s3, s0;
	s1 =	sshll.u32 s1, $0x11  }
0xbc: {  	s0 =	sor.u32 s1, s0  }
0xbd: {  	s0 =	sadd.s32 $0x8F2B, s0  }
0xbe: {  	[sflag:s0] =	ssyncadd.remote.s32 $0x1  }
0xbf: {  	_ =	sfence.sel $0xFFFF  }
0xc0: {  	[dreg:$0x0] =	wrdreg $0xFFFFFFFF;
	(pc) =	sbr.abs _section_cstart, $3  }
0xc1: {  	[dreg:$0x1] =	wrdreg $0xFFFFFFFF  }
0xc2: {  	_ =	task.clear_ibuf [dreg:s7], $0x2FFFF;
	_ =	strace $0x9FFFFFFF  }
0xc3: {  	(tm) =	ssettm $0x7FFFFFFF  }
tec
execute0_lowered:
.L_overlay_start_1:
0x0: {  	(tag) =	ssettag $0x1  }
0x1: {  	s0 =	rddreg [dreg:$0x0]  }
0x2: {  	s2 =	rddreg [dreg:$0x2];
	s4 =	simm.s32 $0x0  }
0x3: {  	s1 =	srdreg.scid;
	s14 =	stileid.u32;
	s28 =	simm.s32 $0x5  }
0x4: {  	s29 =	simm.s32 $0x200;
	s30 =	simm.s32 $0x50;
	s8 =	smul.u32 $0x4E20, s14  }
0x5: {  	s31 =	simm.s32 $0x80;
	[smem:$0x7FF] =	sst s4;
	s11 =	smul.u32 $0x280, s14  }
0x6: {  	s1 =	sand.u32 $0x1, s1;
	s5 =	sadd.s32 $0x3000, s0;
	s22 =	smul.u32 $0x2800, s14  }
0x7: {  	s6 =	sadd.s32 $0x51200, s0;
	s7 =	sadd.s32 $0x78600, s0;
	s24 =	smul.u32 $0x50, s14  }
0x8: {  	s10 =	sadd.s32 $0x8C000, s0;
	s14 =	simm.s32 $0x4;
	s3 =	smul.u32 $0x4E200, s1  }
0x9: {  	_ =	strace $0x80000047;
	s9 =	smul.u32 $0x28000, s1;
	s1 =	ssub.s32 $0x2, s1  }
0xa: {  	s17 =	sshrl.u32 s1, $0x1;
	s11 =	sshrl.u32 s11, $0x3;
	s3 =	sadd.s32 s8, s3  }
0xb: {  	s0 =	sadd.s32 s9, s0;
	s1 =	ssub.s32 s1, s17;
	s13 =	sshrl.u32 s3, $0x3  }
0xc: {  	s1 =	smax.u32 s1, $0x1;
	s0 =	sadd.s32 s22, s0;
	s12 =	sadd.s32 $0xA, s13  }
0xd: {  	[dreg:$0x6] =	wrdreg s1;
	s15 =	sadd.s32 s6, s12;
	s12 =	sadd.s32 s7, s12  }
0xe: {  	s22 =	sadd.s32 s24, s10;
	[dreg:$0x5] =	wrdreg s12;
	s12 =	sadd.s32 s10, s11  }
0xf: {  	s8 =	sadd.s32 s6, s13;
	[dreg:$0x4] =	wrdreg s15;
	s18 =	sadd.s32 $0xA, s12  }
0x10: {  	s9 =	sadd.s32 s7, s13;
	s19 =	sadd.s32 $0x14, s12;
	[dreg:$0x7] =	wrdreg s18  }
0x11: {  	s26 =	sadd.s32 $0x1E, s13;
	s20 =	sadd.s32 $0x1E, s12;
	[dreg:$0x8] =	wrdreg s19  }
0x12: {  	s1 =	simm.s32 $0x2A80;
	s21 =	sadd.s32 $0x28, s12;
	[dreg:$0x9] =	wrdreg s20  }
0x13: {  	s13 =	simm.s32 $0x3;
	s11 =	sadd.s32 $0x32, s12;
	[dreg:$0xa] =	wrdreg s21  }
0x14: {  	s24 =	sadd.s32 s26, s6;
	s23 =	sadd.s32 $0x3C, s12;
	[dreg:$0xb] =	wrdreg s11  }
0x15: {  	s10 =	simm.s32 $0x1;
	s25 =	sadd.s32 $0x46, s12;
	[dreg:$0xc] =	wrdreg s23  }
0x16: {  	s15 =	simm.s32 $0x0;
	[dreg:$0xd] =	wrdreg s25;
	s21 =	sadd.s32 $0xA0, s3  }
0x17: {  	s23 =	sadd.s32 s26, s7;
	s25 =	sadd.s32 $0x8C600, s0;
	s26 =	simm.s32 $0x280  }
0x18: {  	s0 =	simm.s32 $0x100;
	s3 =	simm.s32 $0x180;
	s11 =	simm.s32 $0x2  }
.LBB2_1:
0x19: {  	s16 =	rddreg [dreg:$0x1]  }
0x1a: {  	[tilespmem:s26], [sflag:$0x5] =	stream.linear.gather [hbm4b:s16+s4], $0x2800, $0x38;
	[tilespmem:$0x19280] =	vst v63  }
0x1b: {  	_ =	swait.ge [sflag:s28], $0x2800  }
0x1c: {  	[sflag:s28] =	ssyncset.done $0x0  }
0x1d: {  	[sflag:s28] =	ssyncadd.s32 $0xFFFFD800  }
0x1e: {  	[tilespmem:s29], [sflag:$0x5] =	stream.linear.gather [hbm4b:s12+s4], $0x50, $0x38;
	[tilespmem:$0x19280] =	vst v63  }
0x1f: {  	_ =	swait.ge [sflag:s28], $0x50  }
0x20: {  	[sflag:s28] =	ssyncset.done $0x0  }
0x21: {  	[sflag:s28] =	ssyncadd.s32 $0xFFFFFFB0  }
0x22: {  	[spmem:s2] =	stream.indirect.scatter [tilespmem:s26], [sflag:$0x5], $0x80, s29, s30, $0xb8;
	[tilespmem:$0x19280] =	vst v63  }
0x23: {  	_ =	swait.ge [sflag:s28], $0x2800  }
0x24: {  	[sflag:s28] =	ssyncset.done $0x0  }
0x25: {  	s17 =	rddreg [dreg:$0x7];
	[sflag:s28] =	ssyncadd.s32 $0xFFFFD800  }
0x26: {  	[tilespmem:s29], [sflag:$0x5] =	stream.linear.gather [hbm4b:s17+s4], $0x50, $0x38;
	[tilespmem:$0x19280] =	vst v63  }
0x27: {  	_ =	swait.ge [sflag:s28], $0x50  }
0x28: {  	[sflag:s28] =	ssyncset.done $0x0  }
0x29: {  	[sflag:s28] =	ssyncadd.s32 $0xFFFFFFB0  }
0x2a: {  	[spmem:s2] =	stream.indirect.scatter [tilespmem:s26], [sflag:$0x5], $0x80, s29, s30, $0xb8;
	[tilespmem:$0x19280] =	vst v63  }
0x2b: {  	_ =	swait.ge [sflag:s28], $0x2800  }
0x2c: {  	[sflag:s28] =	ssyncset.done $0x0  }
0x2d: {  	s18 =	rddreg [dreg:$0x8];
	[sflag:s28] =	ssyncadd.s32 $0xFFFFD800  }
0x2e: {  	[tilespmem:s29], [sflag:$0x5] =	stream.linear.gather [hbm4b:s18+s4], $0x50, $0x38;
	[tilespmem:$0x19280] =	vst v63  }
0x2f: {  	_ =	swait.ge [sflag:s28], $0x50  }
0x30: {  	[sflag:s28] =	ssyncset.done $0x0  }
0x31: {  	[sflag:s28] =	ssyncadd.s32 $0xFFFFFFB0  }
0x32: {  	[spmem:s2] =	stream.indirect.scatter [tilespmem:s26], [sflag:$0x5], $0x80, s29, s30, $0xb8;
	[tilespmem:$0x19280] =	vst v63  }
0x33: {  	_ =	swait.ge [sflag:s28], $0x2800  }
0x34: {  	[sflag:s28] =	ssyncset.done $0x0  }
0x35: {  	s19 =	rddreg [dreg:$0x9];
	[sflag:s28] =	ssyncadd.s32 $0xFFFFD800  }
0x36: {  	[tilespmem:s29], [sflag:$0x5] =	stream.linear.gather [hbm4b:s19+s4], $0x50, $0x38;
	[tilespmem:$0x19280] =	vst v63  }
0x37: {  	_ =	swait.ge [sflag:s28], $0x50  }
0x38: {  	[sflag:s28] =	ssyncset.done $0x0  }
0x39: {  	[sflag:s28] =	ssyncadd.s32 $0xFFFFFFB0  }
0x3a: {  	[spmem:s2] =	stream.indirect.scatter [tilespmem:s26], [sflag:$0x5], $0x80, s29, s30, $0xb8;
	[tilespmem:$0x19280] =	vst v63  }
0x3b: {  	_ =	swait.ge [sflag:s28], $0x2800  }
0x3c: {  	[sflag:s28] =	ssyncset.done $0x0  }
0x3d: {  	s20 =	rddreg [dreg:$0xa];
	[sflag:s28] =	ssyncadd.s32 $0xFFFFD800  }
0x3e: {  	[tilespmem:s29], [sflag:$0x5] =	stream.linear.gather [hbm4b:s20+s4], $0x50, $0x38;
	[tilespmem:$0x19280] =	vst v63  }
0x3f: {  	_ =	swait.ge [sflag:s28], $0x50  }
0x40: {  	[sflag:s28] =	ssyncset.done $0x0  }
0x41: {  	[sflag:s28] =	ssyncadd.s32 $0xFFFFFFB0  }
0x42: {  	[spmem:s2] =	stream.indirect.scatter [tilespmem:s26], [sflag:$0x5], $0x80, s29, s30, $0xb8;
	[tilespmem:$0x19280] =	vst v63  }
0x43: {  	_ =	swait.ge [sflag:s28], $0x2800  }
0x44: {  	[sflag:s28] =	ssyncset.done $0x0  }
0x45: {  	s17 =	rddreg [dreg:$0xb];
	[sflag:s28] =	ssyncadd.s32 $0xFFFFD800  }
0x46: {  	[tilespmem:s29], [sflag:$0x5] =	stream.linear.gather [hbm4b:s17+s4], $0x50, $0x38;
	[tilespmem:$0x19280] =	vst v63  }
0x47: {  	_ =	swait.ge [sflag:s28], $0x50  }
0x48: {  	[sflag:s28] =	ssyncset.done $0x0  }
0x49: {  	[sflag:s28] =	ssyncadd.s32 $0xFFFFFFB0  }
0x4a: {  	[spmem:s2] =	stream.indirect.scatter [tilespmem:s26], [sflag:$0x5], $0x80, s29, s30, $0xb8;
	[tilespmem:$0x19280] =	vst v63  }
0x4b: {  	_ =	swait.ge [sflag:s28], $0x2800  }
0x4c: {  	[sflag:s28] =	ssyncset.done $0x0  }
0x4d: {  	s18 =	rddreg [dreg:$0xc];
	[sflag:s28] =	ssyncadd.s32 $0xFFFFD800  }
0x4e: {  	[tilespmem:s29], [sflag:$0x5] =	stream.linear.gather [hbm4b:s18+s4], $0x50, $0x38;
	[tilespmem:$0x19280] =	vst v63  }
0x4f: {  	_ =	swait.ge [sflag:s28], $0x50  }
0x50: {  	[sflag:s28] =	ssyncset.done $0x0  }
0x51: {  	[sflag:s28] =	ssyncadd.s32 $0xFFFFFFB0  }
0x52: {  	[spmem:s2] =	stream.indirect.scatter [tilespmem:s26], [sflag:$0x5], $0x80, s29, s30, $0xb8;
	[tilespmem:$0x19280] =	vst v63  }
0x53: {  	_ =	swait.ge [sflag:s28], $0x2800  }
0x54: {  	[sflag:s28] =	ssyncset.done $0x0  }
0x55: {  	s19 =	rddreg [dreg:$0xd];
	[sflag:s28] =	ssyncadd.s32 $0xFFFFD800  }
0x56: {  	[tilespmem:s29], [sflag:$0x5] =	stream.linear.gather [hbm4b:s19+s4], $0x50, $0x38;
	[tilespmem:$0x19280] =	vst v63  }
0x57: {  	_ =	swait.ge [sflag:s28], $0x50  }
0x58: {  	[sflag:s28] =	ssyncset.done $0x0  }
0x59: {  	[sflag:s28] =	ssyncadd.s32 $0xFFFFFFB0  }
0x5a: {  	[spmem:s2] =	stream.indirect.scatter [tilespmem:s26], [sflag:$0x5], $0x80, s29, s30, $0xb8;
	[tilespmem:$0x19280] =	vst v63  }
0x5b: {  	_ =	swait.ge [sflag:s28], $0x2800  }
0x5c: {  	[sflag:s28] =	ssyncset.done $0x0  }
0x5d: {  	[sflag:s28] =	ssyncadd.s32 $0xFFFFD800  }
0x5e: {  	[bflag:$0x0] =	sbarrier.arrive $0xFFFF  }
0x5f: {  	[tilespmem:s4], [sflag:$0x5] =	stream.linear.gather [hbm4b:s8+s4], $0x50, $0x38;
	[tilespmem:$0x19280] =	vst v63  }
0x60: {  	_ =	swait.ge [sflag:s28], $0x50  }
0x61: {  	[sflag:s28] =	ssyncset.done $0x0  }
0x62: {  	[sflag:s28] =	ssyncadd.s32 $0xFFFFFFB0  }
0x63: {  	[tilespmem:s31], [sflag:$0x5] =	stream.linear.gather [hbm4b:s9+s4], $0x50, $0x38;
	[tilespmem:$0x19280] =	vst v63  }
0x64: {  	_ =	swait.ge [sflag:s28], $0x50  }
0x65: {  	[sflag:s28] =	ssyncset.done $0x0  }
0x66: {  	[sflag:s28] =	ssyncadd.s32 $0xFFFFFFB0  }
0x67: {  	[tilespmem:s26], [sflag:$0x1] =	stream.indirect.gather [hbm4b:s5+s30], $0x80, s4, s30, $0xb8;
	[tilespmem:$0x19280] =	vst v63  }
0x68: {  	s20 =	rddreg [dreg:$0x4]  }
0x69: {  	[tilespmem:s0], [sflag:$0x5] =	stream.linear.gather [hbm4b:s20+s4], $0x50, $0x38;
	[tilespmem:$0x19280] =	vst v63  }
0x6a: {  	_ =	swait.ge [sflag:s28], $0x50  }
0x6b: {  	[sflag:s28] =	ssyncset.done $0x0  }
0x6c: {  	s17 =	rddreg [dreg:$0x5];
	[sflag:s28] =	ssyncadd.s32 $0xFFFFFFB0  }
0x6d: {  	[tilespmem:s3], [sflag:$0x5] =	stream.linear.gather [hbm4b:s17+s4], $0x50, $0x38;
	[tilespmem:$0x19280] =	vst v63  }
0x6e: {  	_ =	swait.ge [sflag:s28], $0x50  }
0x6f: {  	[sflag:s28] =	ssyncset.done $0x0  }
0x70: {  	[sflag:s28] =	ssyncadd.s32 $0xFFFFFFB0  }
0x71: {  	[tilespmem:s1], [sflag:$0x2] =	stream.indirect.gather [hbm4b:s5+s30], $0x80, s0, s30, $0xb8;
	[tilespmem:$0x19280] =	vst v63  }
0x72: {  	_ =	swait.ge [sflag:s10], $0x2800  }
0x73: {  	[sflag:s10] =	ssyncset.done $0x0  }
0x74: {  	[sflag:s10] =	ssyncadd.s32 $0xFFFFD800  }
0x75: {  	[spmem:s2] =	stream.indirect.scatter.add.f32 [tilespmem:s26], [sflag:$0x3], $0x80, s31, s30, $0xb8;
	[tilespmem:$0x19280] =	vst v63  }
0x76: {  	_ =	swait.ge [sflag:s11], $0x2800  }
0x77: {  	[sflag:s11] =	ssyncset.done $0x0  }
0x78: {  	[sflag:s11] =	ssyncadd.s32 $0xFFFFD800  }
0x79: {  	[spmem:s2] =	stream.indirect.scatter.add.f32 [tilespmem:s1], [sflag:$0x4], $0x80, s3, s30, $0xb8;
	[tilespmem:$0x19280] =	vst v63  }
0x7a: {  	_ =	swait.ge [sflag:s13], $0x2800  }
0x7b: {  	s18 =	sshrl.u32 s21, $0x3;
	[sflag:s13] =	ssyncset.done $0x0  }
0x7c: {  	s17 =	sadd.s32 s6, s18;
	[sflag:s13] =	ssyncadd.s32 $0xFFFFD800  }
0x7d: {  	[tilespmem:s4], [sflag:$0x5] =	stream.linear.gather [hbm4b:s17+s4], $0x50, $0x38;
	[tilespmem:$0x19280] =	vst v63  }
0x7e: {  	_ =	swait.ge [sflag:s28], $0x50  }
0x7f: {  	[sflag:s28] =	ssyncset.done $0x0  }
0x80: {  	s16 =	sadd.s32 s7, s18;
	[sflag:s28] =	ssyncadd.s32 $0xFFFFFFB0  }
0x81: {  	[tilespmem:s31], [sflag:$0x5] =	stream.linear.gather [hbm4b:s16+s4], $0x50, $0x38;
	[tilespmem:$0x19280] =	vst v63  }
0x82: {  	_ =	swait.ge [sflag:s28], $0x50  }
0x83: {  	[sflag:s28] =	ssyncset.done $0x0  }
0x84: {  	[sflag:s28] =	ssyncadd.s32 $0xFFFFFFB0  }
0x85: {  	[tilespmem:s26], [sflag:$0x1] =	stream.indirect.gather [hbm4b:s5+s30], $0x80, s4, s30, $0xb8;
	[tilespmem:$0x19280] =	vst v63  }
0x86: {  	_ =	swait.ge [sflag:s14], $0x2800  }
0x87: {  	[sflag:s14] =	ssyncset.done $0x0  }
0x88: {  	s19 =	sadd.s32 $0x0, s24;
	[sflag:s14] =	ssyncadd.s32 $0xFFFFD800  }
0x89: {  	[tilespmem:s0], [sflag:$0x5] =	stream.linear.gather [hbm4b:s19+s4], $0x50, $0x38;
	[tilespmem:$0x19280] =	vst v63  }
0x8a: {  	_ =	swait.ge [sflag:s28], $0x50  }
0x8b: {  	[sflag:s28] =	ssyncset.done $0x0  }
0x8c: {  	s20 =	sadd.s32 $0x0, s23;
	[sflag:s28] =	ssyncadd.s32 $0xFFFFFFB0  }
0x8d: {  	[tilespmem:s3], [sflag:$0x5] =	stream.linear.gather [hbm4b:s20+s4], $0x50, $0x38;
	[tilespmem:$0x19280] =	vst v63  }
0x8e: {  	_ =	swait.ge [sflag:s28], $0x50  }
0x8f: {  	[sflag:s28] =	ssyncset.done $0x0  }
0x90: {  	s17 =	sadd.s32 $0xA0, s21;
	s16 =	simm.s32 $0x14;
	[sflag:s28] =	ssyncadd.s32 $0xFFFFFFB0  }
.LBB2_2:
0x91: {  	[tilespmem:s1], [sflag:$0x2] =	stream.indirect.gather [hbm4b:s5+s30], $0x80, s0, s30, $0xb8;
	[tilespmem:$0x19280] =	vst v63  }
0x92: {  	s18 =	smov.u32 s16  }
0x93: {  	p0 =	sne.s32 s16, $0x99C;
	s16 =	sadd.s32 $0x14, s16;
	_ =	swait.ge [sflag:s10], $0x2800  }
0x94: {  	[sflag:s10] =	ssyncset.done $0x0  }
0x95: {  	[sflag:s10] =	ssyncadd.s32 $0xFFFFD800  }
0x96: {  	[spmem:s2] =	stream.indirect.scatter.add.f32 [tilespmem:s26], [sflag:$0x3], $0x80, s31, s30, $0xb8;
	[tilespmem:$0x19280] =	vst v63  }
0x97: {  	_ =	swait.ge [sflag:s11], $0x2800  }
0x98: {  	[sflag:s11] =	ssyncset.done $0x0  }
0x99: {  	[sflag:s11] =	ssyncadd.s32 $0xFFFFD800  }
0x9a: {  	[spmem:s2] =	stream.indirect.scatter.add.f32 [tilespmem:s1], [sflag:$0x4], $0x80, s3, s30, $0xb8;
	[tilespmem:$0x19280] =	vst v63  }
0x9b: {  	_ =	swait.ge [sflag:s13], $0x2800  }
0x9c: {  	s19 =	sshrl.u32 s17, $0x3;
	[sflag:s13] =	ssyncset.done $0x0  }
0x9d: {  	s20 =	sadd.s32 s6, s19;
	[sflag:s13] =	ssyncadd.s32 $0xFFFFD800  }
0x9e: {  	[tilespmem:s4], [sflag:$0x5] =	stream.linear.gather [hbm4b:s20+s4], $0x50, $0x38;
	[tilespmem:$0x19280] =	vst v63  }
0x9f: {  	_ =	swait.ge [sflag:s28], $0x50  }
0xa0: {  	[sflag:s28] =	ssyncset.done $0x0  }
0xa1: {  	s19 =	sadd.s32 s7, s19;
	[sflag:s28] =	ssyncadd.s32 $0xFFFFFFB0  }
0xa2: {  	[tilespmem:s31], [sflag:$0x5] =	stream.linear.gather [hbm4b:s19+s4], $0x50, $0x38;
	[tilespmem:$0x19280] =	vst v63  }
0xa3: {  	_ =	swait.ge [sflag:s28], $0x50  }
0xa4: {  	[sflag:s28] =	ssyncset.done $0x0  }
0xa5: {  	[sflag:s28] =	ssyncadd.s32 $0xFFFFFFB0  }
0xa6: {  	[tilespmem:s26], [sflag:$0x1] =	stream.indirect.gather [hbm4b:s5+s30], $0x80, s4, s30, $0xb8;
	[tilespmem:$0x19280] =	vst v63  }
0xa7: {  	_ =	swait.ge [sflag:s14], $0x2800  }
0xa8: {  	[sflag:s14] =	ssyncset.done $0x0  }
0xa9: {  	s19 =	sadd.s32 s18, s24;
	[sflag:s14] =	ssyncadd.s32 $0xFFFFD800  }
0xaa: {  	[tilespmem:s0], [sflag:$0x5] =	stream.linear.gather [hbm4b:s19+s4], $0x50, $0x38;
	[tilespmem:$0x19280] =	vst v63  }
0xab: {  	_ =	swait.ge [sflag:s28], $0x50  }
0xac: {  	[sflag:s28] =	ssyncset.done $0x0  }
.Ltmp0:
0xad: {  	s18 =	sadd.s32 s18, s23;
	[sflag:s28] =	ssyncadd.s32 $0xFFFFFFB0;
	(pc) =	sbr.rel @p0 .LBB2_2-.Ltmp0, $4  }
0xae: {  	[tilespmem:s3], [sflag:$0x5] =	stream.linear.gather [hbm4b:s18+s4], $0x50, $0x38;
	[tilespmem:$0x19280] =	vst v63  }
0xaf: {  	_ =	swait.ge [sflag:s28], $0x50  }
0xb0: {  	[sflag:s28] =	ssyncset.done $0x0  }
0xb1: {  	s17 =	sadd.s32 $0xA0, s17;
	[sflag:s28] =	ssyncadd.s32 $0xFFFFFFB0  }
0xb2: {  	[tilespmem:s1], [sflag:$0x2] =	stream.indirect.gather [hbm4b:s5+s30], $0x80, s0, s30, $0xb8;
	[tilespmem:$0x19280] =	vst v63  }
0xb3: {  	_ =	swait.ge [sflag:s10], $0x2800  }
0xb4: {  	[sflag:s10] =	ssyncset.done $0x0  }
0xb5: {  	[sflag:s10] =	ssyncadd.s32 $0xFFFFD800  }
0xb6: {  	[spmem:s2] =	stream.indirect.scatter.add.f32 [tilespmem:s26], [sflag:$0x3], $0x80, s31, s30, $0xb8;
	[tilespmem:$0x19280] =	vst v63  }
0xb7: {  	_ =	swait.ge [sflag:s11], $0x2800  }
0xb8: {  	[sflag:s11] =	ssyncset.done $0x0  }
0xb9: {  	[sflag:s11] =	ssyncadd.s32 $0xFFFFD800  }
0xba: {  	[spmem:s2] =	stream.indirect.scatter.add.f32 [tilespmem:s1], [sflag:$0x4], $0x80, s3, s30, $0xb8;
	[tilespmem:$0x19280] =	vst v63  }
0xbb: {  	_ =	swait.ge [sflag:s13], $0x2800  }
0xbc: {  	[sflag:s13] =	ssyncset.done $0x0  }
0xbd: {  	s16 =	simm.s32 $0x0;
	[sflag:s13] =	ssyncadd.s32 $0xFFFFD800  }
0xbe: {  	[tilespmem:s16], [sflag:$0x5] =	stream.linear.gather [hbm4b:s8+s16], $0x50, $0x38;
	[tilespmem:$0x19280] =	vst v63  }
0xbf: {  	_ =	swait.ge [sflag:s28], $0x50  }
0xc0: {  	[sflag:s28] =	ssyncset.done $0x0  }
0xc1: {  	[sflag:s28] =	ssyncadd.s32 $0xFFFFFFB0  }
0xc2: {  	[tilespmem:s31], [sflag:$0x5] =	stream.linear.gather [hbm4b:s9+s16], $0x50, $0x38;
	[tilespmem:$0x19280] =	vst v63  }
0xc3: {  	_ =	swait.ge [sflag:s28], $0x50  }
0xc4: {  	[sflag:s28] =	ssyncset.done $0x0  }
0xc5: {  	[sflag:s28] =	ssyncadd.s32 $0xFFFFFFB0  }
0xc6: {  	[tilespmem:s26], [sflag:$0x1] =	stream.indirect.gather [hbm4b:s5+s30], $0x80, s16, s30, $0xb8;
	[tilespmem:$0x19280] =	vst v63  }
0xc7: {  	_ =	swait.ge [sflag:s14], $0x2800  }
0xc8: {  	[sflag:s14] =	ssyncset.done $0x0  }
0xc9: {  	[sflag:s14] =	ssyncadd.s32 $0xFFFFD800  }
0xca: {  	[tilespmem:s0], [sflag:$0x5] =	stream.linear.gather [hbm4b:s8+s16], $0x50, $0x38;
	[tilespmem:$0x19280] =	vst v63  }
0xcb: {  	_ =	swait.ge [sflag:s28], $0x50  }
0xcc: {  	[sflag:s28] =	ssyncset.done $0x0  }
0xcd: {  	[sflag:s28] =	ssyncadd.s32 $0xFFFFFFB0  }
0xce: {  	[tilespmem:s3], [sflag:$0x5] =	stream.linear.gather [hbm4b:s9+s16], $0x50, $0x38;
	[tilespmem:$0x19280] =	vst v63  }
0xcf: {  	_ =	swait.ge [sflag:s28], $0x50  }
0xd0: {  	[sflag:s28] =	ssyncset.done $0x0  }
0xd1: {  	[sflag:s28] =	ssyncadd.s32 $0xFFFFFFB0  }
0xd2: {  	[tilespmem:s1], [sflag:$0x2] =	stream.indirect.gather [hbm4b:s5+s30], $0x80, s0, s30, $0xb8;
	[tilespmem:$0x19280] =	vst v63  }
0xd3: {  	_ =	swait.ge [sflag:s10], $0x2800  }
0xd4: {  	[sflag:s10] =	ssyncset.done $0x0  }
0xd5: {  	[sflag:s10] =	ssyncadd.s32 $0xFFFFD800  }
0xd6: {  	_ =	swait.ge [sflag:s11], $0x2800  }
0xd7: {  	[sflag:s11] =	ssyncset.done $0x0  }
0xd8: {  	[sflag:s11] =	ssyncadd.s32 $0xFFFFD800  }
0xd9: {  	s20 =	sadd.s32 $0x0, s22;
	[bflag:$0x0] =	sbarrier.arrive $0xFFFF  }
0xda: {  	[tilespmem:s29], [sflag:$0x5] =	stream.linear.gather [hbm4b:s20+s4], $0x50, $0x38;
	[tilespmem:$0x19280] =	vst v63  }
0xdb: {  	_ =	swait.ge [sflag:s28], $0x50  }
0xdc: {  	[sflag:s28] =	ssyncset.done $0x0  }
0xdd: {  	[sflag:s28] =	ssyncadd.s32 $0xFFFFFFB0  }
0xde: {  	[tilespmem:s26], [sflag:$0x5] =	stream.indirect.gather [spmem:s2], $0x80, s29, s30, $0xb8;
	[tilespmem:$0x19280] =	vst v63  }
0xdf: {  	_ =	swait.ge [sflag:s28], $0x2800  }
0xe0: {  	[sflag:s28] =	ssyncset.done $0x0  }
0xe1: {  	[sflag:s28] =	ssyncadd.s32 $0xFFFFD800  }
0xe2: {  	[hbm4b:s25+s4] =	stream.linear.scatter [tilespmem:s26], [sflag:$0x5], $0x2800, $0x38;
	[tilespmem:$0x19280] =	vst v63  }
0xe3: {  	s17 =	simm.s32 $0xA;
	_ =	swait.ge [sflag:s28], $0x2800  }
0xe4: {  	s18 =	simm.s32 $0x14;
	s16 =	sadd.s32 $0x500, s25;
	[sflag:s28] =	ssyncset.done $0x0  }
.LBB2_4:
0xe5: {  	s19 =	sadd.s32 s17, s22  }
0xe6: {  	[sflag:s28] =	ssyncadd.s32 $0xFFFFD800;
	s17 =	smov.u32 s18;
	s20 =	sadd.s32 $0xA, s18  }
0xe7: {  	[tilespmem:s29], [sflag:$0x5] =	stream.linear.gather [hbm4b:s19+s4], $0x50, $0x38;
	[tilespmem:$0x19280] =	vst v63  }
0xe8: {  	p0 =	sne.s32 s18, $0x46;
	_ =	swait.ge [sflag:s28], $0x50  }
0xe9: {  	[sflag:s28] =	ssyncset.done $0x0  }
0xea: {  	[sflag:s28] =	ssyncadd.s32 $0xFFFFFFB0  }
0xeb: {  	[tilespmem:s26], [sflag:$0x5] =	stream.indirect.gather [spmem:s2], $0x80, s29, s30, $0xb8;
	[tilespmem:$0x19280] =	vst v63  }
0xec: {  	_ =	swait.ge [sflag:s28], $0x2800  }
.Ltmp1:
0xed: {  	[sflag:s28] =	ssyncset.done $0x0;
	(pc) =	sbr.rel @p0 .LBB2_4-.Ltmp1, $4  }
0xee: {  	[sflag:s28] =	ssyncadd.s32 $0xFFFFD800  }
0xef: {  	[hbm4b:s16+s4] =	stream.linear.scatter [tilespmem:s26], [sflag:$0x5], $0x2800, $0x38;
	[tilespmem:$0x19280] =	vst v63  }
0xf0: {  	_ =	swait.ge [sflag:s28], $0x2800  }
0xf1: {  	s18 =	smov.u32 s20;
	s16 =	sadd.s32 $0x500, s16;
	[sflag:s28] =	ssyncset.done $0x0  }
0xf2: {  	s17 =	sadd.s32 s17, s22;
	[sflag:s28] =	ssyncadd.s32 $0xFFFFD800  }
0xf3: {  	[tilespmem:s29], [sflag:$0x5] =	stream.linear.gather [hbm4b:s17+s4], $0x50, $0x38;
	[tilespmem:$0x19280] =	vst v63  }
0xf4: {  	_ =	swait.ge [sflag:s28], $0x50  }
0xf5: {  	[sflag:s28] =	ssyncset.done $0x0  }
0xf6: {  	[sflag:s28] =	ssyncadd.s32 $0xFFFFFFB0  }
0xf7: {  	[tilespmem:s26], [sflag:$0x5] =	stream.indirect.gather [spmem:s2], $0x80, s29, s30, $0xb8;
	[tilespmem:$0x19280] =	vst v63  }
0xf8: {  	_ =	swait.ge [sflag:s28], $0x2800  }
0xf9: {  	[sflag:s28] =	ssyncset.done $0x0  }
0xfa: {  	[sflag:s28] =	ssyncadd.s32 $0xFFFFD800  }
0xfb: {  	[hbm4b:s16+s4] =	stream.linear.scatter [tilespmem:s26], [sflag:$0x5], $0x2800, $0x38;
	[tilespmem:$0x19280] =	vst v63  }
0xfc: {  	_ =	swait.ge [sflag:s28], $0x2800  }
0xfd: {  	s15 =	sadd.s32 $0x1, s15;
	s20 =	rddreg [dreg:$0x6]  }
0xfe: {  	p0 =	sne.s32 s15, s20  }
.Ltmp2:
0xff: {  	_ = 	snop;
	(pc) =	sbr.rel @p0 .LBB2_1-.Ltmp2, $3  }
0x100: {  	_ =	sdelay $0x1  }
0x101: {  	[sflag:s28] =	ssyncset.done $0x0  }
0x102: {  	[sflag:s28] =	ssyncadd.s32 $0xFFFFD800  }
0x103: {  	_ =	sfence.sel $0x180000  }
0x104: {  	[bflag:$0x0] =	sbarrier.arrive $0xFFFF  }
0x105: {  	_ =	strace $0x90000047  }
0x106: {  	s0 =	stileid.u32;
	[bflag:$0x2] =	sbarrier.arrive $0xFFFF  }
0x107: {  	p0 =	sne.s32 s0, $0x0;
	s0 =	rddreg [dreg:$0x3]  }
0x108: {  	s0 =	sadd.s32 @!p0 $0x100000, s0  }
0x109: {  	[sflag:s0] =	ssyncadd.tile.s32 @!p0 $0x1;
	_ =	shalt  }
.Lfunc_end2:
_tile_overlayer_lowered:
.L_overlay_start_2:
0x10a: {  	(tag) =	ssettag $0x2  }
0x10b: {  	s0 =	rddreg [dreg:$0x0];
	s2 =	stileid.u32  }
0x10c: {  	s1 =	rddreg [dreg:$0x1];
	p0 =	sne.s32 s2, $0x0  }
0x10d: {  	s3 =	rddreg [dreg:$0x2];
	[bflag:$0x3] =	sbarrier.arrive $0xFFFF;
	s2 =	simm.s32 @!p0 $0x1C05  }
0x10e: {  	[timem:s3], [sflag:s2] =	dma.local @!p0 [hbm:s0], s1  }
0x10f: {  	s0 =	simm.s32 @!p0 $0x5  }
0x110: {  	_ =	swait.ge @!p0 [sflag:s0], s1  }
0x111: {  	s1 =	ssub.s32 @!p0 $0x0, s1;
	[sflag:s0] =	ssyncset.done @!p0 $0x0  }
0x112: {  	[sflag:s0] =	ssyncadd.s32 @!p0 s1  }
0x113: {  	[bflag:$0x3] =	sbarrier.arrive $0xFFFF  }
0x114: {  	_ =	shalt  }

// kernel: kernel.14.cloned.1.call-start
scs
__scs_entry_jumppad:
0x0: {  	(pc) =	sbr.rel $0x88, $3  }
0x1: {  	(tag) =	ssettag $0x0;
	lr =	simm.s32 $0x1  }
0x2: {  	[smem:$0x3F8D] =	sst lr;
	_ =	strace $0xD0000000  }
0x3: {  	_ = 	snop  }
0x4: {  	_ = 	snop  }
0x5: {  	_ = 	snop  }
0x6: {  	_ = 	snop  }
0x7: {  	_ = 	snop  }
__scs_overlays_trampoline_lowered:
0x8: {  	[smem:$0x3F9C] =	sst s0  }
0x9: {  	[smem:$0x3F9D] =	sst s1  }
0xa: {  	[smem:$0x3F9E] =	sst s2  }
0xb: {  	[smem:$0x3F9F] =	sst s3  }
0xc: {  	[smem:$0x3FA0] =	sst s4  }
0xd: {  	[smem:$0x3FA1] =	sst s5  }
0xe: {  	[smem:$0x3FA2] =	sst s6  }
0xf: {  	[smem:$0x3FA3] =	sst s7  }
0x10: {  	[smem:$0x3FA4] =	sst s8  }
0x11: {  	[smem:$0x3FA5] =	sst s9;
	s0 =	simm.s32 @!p0 $0x0  }
0x12: {  	s1 =	sld [smem:$0x3F8B];
	s0 =	simm.s32 @p0 $0x1  }
0x13: {  	[smem:$0x3FA6] =	sst s0;
	s0 =	simm.s32 @!p1 $0x0  }
0x14: {  	s2 =	sld [smem:$0x3F8A];
	s0 =	simm.s32 @p1 $0x1  }
0x15: {  	[smem:$0x3FA7] =	sst s0;
	s0 =	simm.s32 @!p2 $0x0  }
0x16: {  	s3 =	sld [smem:$0x3FDB];
	s0 =	simm.s32 @p2 $0x1  }
0x17: {  	s4 =	simm.s32 $0x1BF5;
	[smem:$0x3FA9] =	sst s0  }
0x18: {  	s0 =	sld [smem:$0x3F8C];
	_ =	swait.ge [sflag:s4], $0x0  }
0x19: {  	s7 =	sld [smem:$0x3F8D]  }
0x1a: {  	s8 =	sadd.s32 $0xFFFFE003, lr  }
0x1b: {  	s9 =	sadd.s32 $0xFFFFFEF7, lr;
	s5 =	simm.s32 $0xFFFFFFFF;
	p2 =	slt.u32 s8, $0xFFFFF086  }
0x1c: {  	p1 =	slt.u32 s9, $0xF7A;
	s5 =	simm.s32 @!p2 $0x0  }
0x1d: {  	s5 =	simm.s32 @p1 $0x1;
	p0 =	seq.s32 s7, s2  }
0x1e: {  	s7 =	smul.u32 @!p0 $0xF7A, s2;
	p2 =	seq.s32 @!p0 s5, $0x0  }
0x1f: {  	s9 =	smul.u32 $0xF7A, s1;
	s8 =	simm.s32 @!p0 $0x1BF5;
	p2 =	por !p2, p0  }
0x20: {  	[sflag:s8] =	ssyncset.s32 @!p0 $0xFFFFF086;
	s6 =	sadd.s32 @!p0 s3, s7;
	s7 =	simm.s32 @!p0 $0x108  }
0x21: {  	s3 =	sadd.s32 s3, s9;
	s6 =	sadd.s32 @!p0 $0x88, s6;
	s7 =	simm.s32 @p2 $0x1082  }
0x22: {  	[simem:s7], [sflag:s8] =	dma.local @!p0 [hbm:s6], $0xF7A  }
0x23: {  	s9 =	sor.u32 $0xD0000000, s2;
	s6 =	simm.s32 $0x108;
	_ =	swait.ge @!p0 [sflag:s8], $0x0  }
0x24: {  	s3 =	sadd.s32 $0x88, s3;
	s6 =	simm.s32 @!p1 $0x1082;
	[sflag:s4] =	ssyncset.s32 $0xFFFFF086  }
0x25: {  	[simem:s6], [sflag:s4] =	dma.local [hbm:s3], $0xF7A  }
0x26: {  	[smem:$0x3F8D] =	sst s1;
	(tag) =	ssettag s2;
	_ =	strace s9  }
0x27: {  	s1 =	sld [smem:$0x3F9D]  }
0x28: {  	s2 =	sld [smem:$0x3F9E]  }
0x29: {  	s4 =	sld [smem:$0x3FA0]  }
0x2a: {  	p0 =	seq.s32 s5, $0x0;
	s5 =	sld [smem:$0x3FA1]  }
0x2b: {  	s6 =	sld [smem:$0x3FA2]  }
0x2c: {  	s7 =	sld [smem:$0x3FA3]  }
0x2d: {  	s3 =	simm.s32 $0x108;
	s8 =	sld [smem:$0x3FA4]  }
0x2e: {  	s3 =	simm.s32 @!p0 $0x1082;
	s9 =	sld [smem:$0x3FA5]  }
0x2f: {  	lr =	sadd.s32 s0, s3;
	s0 =	sld [smem:$0x3F9C]  }
0x30: {  	s3 =	sld [smem:$0x3F9F]  }
0x31: {  	[smem:$0x3FA8] =	sst s10  }
0x32: {  	s10 =	sld [smem:$0x3FA6];
	_ =	sdelay $0x3  }
0x33: {  	p0 =	seq.s32 s10, $0x1;
	s10 =	sld [smem:$0x3FA8];
	_ =	sdelay $0x3  }
0x34: {  	[smem:$0x3FA8] =	sst s10  }
0x35: {  	s10 =	sld [smem:$0x3FA7];
	_ =	sdelay $0x3  }
0x36: {  	p1 =	seq.s32 s10, $0x1;
	s10 =	sld [smem:$0x3FA8];
	_ =	sdelay $0x3  }
0x37: {  	[smem:$0x3FA8] =	sst s10  }
0x38: {  	s10 =	sld [smem:$0x3FA9]  }
0x39: {  	_ = 	snop;
	(pc) =	sbr.ind lr, $3  }
0x3a: {  	_ = 	snop  }
0x3b: {  	_ = 	snop  }
0x3c: {  	p2 =	seq.s32 s10, $0x1;
	s10 =	sld [smem:$0x3FA8]  }
0x3d: {  	_ =	shalt  }
0x3e: {  	_ =	shalt  }
0x3f: {  	_ =	shalt  }
0x40: {  	_ =	shalt  }
0x41: {  	_ =	shalt  }
0x42: {  	_ =	shalt  }
0x43: {  	_ =	shalt  }
0x44: {  	_ =	shalt  }
0x45: {  	_ =	shalt  }
0x46: {  	_ =	shalt  }
0x47: {  	_ =	shalt  }
0x48: {  	_ =	shalt  }
0x49: {  	_ =	shalt  }
0x4a: {  	_ =	shalt  }
0x4b: {  	_ =	shalt  }
0x4c: {  	_ =	shalt  }
0x4d: {  	_ =	shalt  }
0x4e: {  	_ =	shalt  }
0x4f: {  	_ =	shalt  }
0x50: {  	_ =	shalt  }
0x51: {  	_ =	shalt  }
0x52: {  	_ =	shalt  }
0x53: {  	_ =	shalt  }
0x54: {  	_ =	shalt  }
0x55: {  	_ =	shalt  }
0x56: {  	_ =	shalt  }
0x57: {  	_ =	shalt  }
0x58: {  	_ =	shalt  }
0x59: {  	_ =	shalt  }
0x5a: {  	_ =	shalt  }
0x5b: {  	_ =	shalt  }
0x5c: {  	_ =	shalt  }
0x5d: {  	_ =	shalt  }
0x5e: {  	_ =	shalt  }
0x5f: {  	_ =	shalt  }
0x60: {  	_ =	shalt  }
0x61: {  	_ =	shalt  }
0x62: {  	_ =	shalt  }
0x63: {  	_ =	shalt  }
0x64: {  	_ =	shalt  }
0x65: {  	_ =	shalt  }
0x66: {  	_ =	shalt  }
0x67: {  	_ =	shalt  }
0x68: {  	_ =	shalt  }
0x69: {  	_ =	shalt  }
0x6a: {  	_ =	shalt  }
0x6b: {  	_ =	shalt  }
0x6c: {  	_ =	shalt  }
0x6d: {  	_ =	shalt  }
0x6e: {  	_ =	shalt  }
0x6f: {  	_ =	shalt  }
0x70: {  	_ =	shalt  }
0x71: {  	_ =	shalt  }
0x72: {  	_ =	shalt  }
0x73: {  	_ =	shalt  }
0x74: {  	_ =	shalt  }
0x75: {  	_ =	shalt  }
0x76: {  	_ =	shalt  }
0x77: {  	_ =	shalt  }
0x78: {  	_ =	shalt  }
0x79: {  	_ =	shalt  }
0x7a: {  	_ =	shalt  }
0x7b: {  	_ =	shalt  }
0x7c: {  	_ =	shalt  }
0x7d: {  	_ =	shalt  }
0x7e: {  	_ =	shalt  }
0x7f: {  	_ =	shalt  }
0x80: {  	_ =	shalt  }
0x81: {  	_ =	shalt  }
0x82: {  	_ =	shalt  }
0x83: {  	_ =	shalt  }
0x84: {  	_ =	shalt  }
0x85: {  	_ =	shalt  }
0x86: {  	_ =	shalt  }
0x87: {  	_ =	shalt  }
.Lfunc_end0:
.L_simem_size_0:
called_computation.2_lowered:
.L_overlay_start_0:
0x88: {  	s2 =	sld [smem:$0x3FD9]  }
0x89: {  	s3 =	sld [smem:$0x3FFE];
	_ =	sdelay $0x1  }
0x8a: {  	s1 =	srdreg.scid  }
0x8b: {  	s0 =	sand.u32 $0x1, s1  }
0x8c: {  	s17 =	sshll.u32 s0, $0xA;
	s2 =	sadd.s32 s3, s2  }
0x8d: {  	s2 =	sadd.s32 s2, s17  }
0x8e: {  	[smem:$0x3FB4] =	sst s2  }
0x8f: {  	_ = 	snop  }
0x90: {  	s2 =	sld [smem:$0x3FD0];
	(tm) =	ssettm $0x1  }
0x91: {  	s18 =	sld [smem:$0x3FFB];
	_ =	sdelay $0x3  }
0x92: {  	_ =	strace s18  }
0x93: {  	s3 =	sld [smem:$0x3FFC];
	_ =	sdelay $0x3  }
0x94: {  	_ =	strace s3  }
0x95: {  	s3 =	sld [smem:$0x3FFD];
	_ =	sdelay $0x3  }
0x96: {  	_ =	strace s3  }
0x97: {  	_ =	strace $0x8FFFFFFF  }
0x98: {  	s19 =	sld [smem:$0x3FDB];
	_ =	sdelay $0x1  }
0x99: {  	s4 =	simm.s32 $_scs_section_size  }
0x9a: {  	s5 =	simm.s32 $_size__tile_overlayer_lowered;
	s6 =	simm.s32 $_tile_overlayer_lowered  }
0x9b: {  	s22 =	simm.s32 $0x1BFF;
	s21 =	sshll.u32 s6, $0x1;
	s3 =	sadd.s32 s4, s19  }
0x9c: {  	s7 =	simm.s32 $0x0;
	s20 =	sshll.u32 s5, $0x1;
	s5 =	sadd.s32 s21, s3  }
0x9d: {  	[timem:s7], [sflag:s22] =	dma.local [hbm:s5], s20  }
0x9e: {  	_ =	swait.ge [sflag:s22], s20  }
0x9f: {  	s4 =	ssub.s32 $0x0, s20;
	[sflag:s22] =	ssyncset.done $0x0  }
0xa0: {  	[sflag:s22] =	ssyncadd.s32 s4;
	_ =	sdelay $0x1  }
0xa1: {  	s23 =	simm.s32 $0x1B8B  }
0xa2: {  	_ =	swait.ge [sflag:s23], $0x1  }
0xa3: {  	[sflag:s23] =	ssyncset.done $0x0  }
0xa4: {  	s25 =	simm.s32 $0x1B8E;
	s24 =	sld [smem:$0x3FFE];
	[sflag:s23] =	ssyncadd.s32 $0xFFFFFFFF  }
0xa5: {  	s26 =	simm.s32 $execute0_lowered;
	[smem:$0x3FD2] =	sst s25  }
0xa6: {  	s5 =	sshll.u32 s26, $0x1;
	_ =	strace $0x8000004C;
	[dreg:$0x1] =	wrdreg $0xFFFFFFFF  }
0xa7: {  	s28 =	simm.s32 $_size_execute0_lowered;
	s3 =	sadd.s32 s3, s5;
	[dreg:$0x0] =	wrdreg $0x0  }
0xa8: {  	s5 =	sshll.u32 s28, $0x1;
	[dreg:$0x2] =	wrdreg s3  }
0xa9: {  	[dreg:$0x3] =	wrdreg s5  }
0xaa: {  	[dreg:$0x4] =	wrdreg $0xC0  }
0xab: {  	_ =	task [dreg:s7], $0x5FFFF  }
0xac: {  	[dreg:$0x1] =	wrdreg $0xFFFFFFFF  }
0xad: {  	[dreg:$0x0] =	wrdreg $0x60  }
0xae: {  	[dreg:$0x2] =	wrdreg s24  }
0xaf: {  	[dreg:$0x3] =	wrdreg s2  }
0xb0: {  	[dreg:$0x4] =	wrdreg $0x52800  }
0xb1: {  	[dreg:$0x5] =	wrdreg $0x9  }
0xb2: {  	_ =	task.clear_ibuf [dreg:s7], $0x6FFFF;
	_ =	strace $0x9000004C  }
0xb3: {  	s29 =	simm.s32 $0x9;
	_ =	strace $0x8000004E  }
0xb4: {  	_ =	swait.ge [sflag:s29], $0x1  }
0xb5: {  	[sflag:s29] =	ssyncadd.s32 $0xFFFFFFFF  }
0xb6: {  	_ =	strace $0x9000004E  }
0xb7: {  	_ =	sfence  }
0xb8: {  	s30 =	sld [smem:$0x0];
	_ =	sdelay $0x2  }
0xb9: {  	s31 =	sshll.u32 s1, $0xD;
	s1 =	sshrl.u32 s1, $0x2  }
0xba: {  	s3 =	sand.u32 $0x4000, s31;
	s1 =	sadd.s32 s1, s30  }
0xbb: {  	s0 =	sor.u32 s3, s0;
	s1 =	sshll.u32 s1, $0x11  }
0xbc: {  	s0 =	sor.u32 s1, s0  }
0xbd: {  	s0 =	sadd.s32 $0x8F2B, s0  }
0xbe: {  	[sflag:s0] =	ssyncadd.remote.s32 $0x1  }
0xbf: {  	_ =	sfence.sel $0xFFFF  }
0xc0: {  	[dreg:$0x0] =	wrdreg $0xFFFFFFFF;
	(pc) =	sbr.abs _section_cstart, $3  }
0xc1: {  	[dreg:$0x1] =	wrdreg $0xFFFFFFFF  }
0xc2: {  	_ =	task.clear_ibuf [dreg:s7], $0x2FFFF;
	_ =	strace $0x9FFFFFFF  }
0xc3: {  	(tm) =	ssettm $0x7FFFFFFF  }
tec
execute0_lowered:
.L_overlay_start_1:
0x0: {  	(tag) =	ssettag $0x1  }
0x1: {  	s0 =	rddreg [dreg:$0x0]  }
0x2: {  	s2 =	rddreg [dreg:$0x2];
	s4 =	simm.s32 $0x0  }
0x3: {  	s1 =	srdreg.scid;
	s14 =	stileid.u32;
	s28 =	simm.s32 $0x5  }
0x4: {  	s29 =	simm.s32 $0x200;
	s30 =	simm.s32 $0x50;
	s8 =	smul.u32 $0x4E20, s14  }
0x5: {  	s31 =	simm.s32 $0x80;
	[smem:$0x7FF] =	sst s4;
	s11 =	smul.u32 $0x280, s14  }
0x6: {  	s1 =	sand.u32 $0x1, s1;
	s5 =	sadd.s32 $0x3000, s0;
	s22 =	smul.u32 $0x2800, s14  }
0x7: {  	s6 =	sadd.s32 $0x64C00, s0;
	s7 =	sadd.s32 $0x78600, s0;
	s24 =	smul.u32 $0x50, s14  }
0x8: {  	s10 =	sadd.s32 $0x8C000, s0;
	s14 =	simm.s32 $0x4;
	s3 =	smul.u32 $0x4E200, s1  }
0x9: {  	_ =	strace $0x8000004D;
	s9 =	smul.u32 $0x28000, s1;
	s1 =	ssub.s32 $0x2, s1  }
0xa: {  	s17 =	sshrl.u32 s1, $0x1;
	s11 =	sshrl.u32 s11, $0x3;
	s3 =	sadd.s32 s8, s3  }
0xb: {  	s0 =	sadd.s32 s9, s0;
	s1 =	ssub.s32 s1, s17;
	s13 =	sshrl.u32 s3, $0x3  }
0xc: {  	s1 =	smax.u32 s1, $0x1;
	s0 =	sadd.s32 s22, s0;
	s12 =	sadd.s32 $0xA, s13  }
0xd: {  	[dreg:$0x6] =	wrdreg s1;
	s15 =	sadd.s32 s6, s12;
	s12 =	sadd.s32 s7, s12  }
0xe: {  	s22 =	sadd.s32 s24, s10;
	[dreg:$0x5] =	wrdreg s12;
	s12 =	sadd.s32 s10, s11  }
0xf: {  	s8 =	sadd.s32 s6, s13;
	[dreg:$0x4] =	wrdreg s15;
	s18 =	sadd.s32 $0xA, s12  }
0x10: {  	s9 =	sadd.s32 s7, s13;
	s19 =	sadd.s32 $0x14, s12;
	[dreg:$0x7] =	wrdreg s18  }
0x11: {  	s26 =	sadd.s32 $0x1E, s13;
	s20 =	sadd.s32 $0x1E, s12;
	[dreg:$0x8] =	wrdreg s19  }
0x12: {  	s1 =	simm.s32 $0x2A80;
	s21 =	sadd.s32 $0x28, s12;
	[dreg:$0x9] =	wrdreg s20  }
0x13: {  	s13 =	simm.s32 $0x3;
	s11 =	sadd.s32 $0x32, s12;
	[dreg:$0xa] =	wrdreg s21  }
0x14: {  	s24 =	sadd.s32 s26, s6;
	s23 =	sadd.s32 $0x3C, s12;
	[dreg:$0xb] =	wrdreg s11  }
0x15: {  	s10 =	simm.s32 $0x1;
	s25 =	sadd.s32 $0x46, s12;
	[dreg:$0xc] =	wrdreg s23  }
0x16: {  	s15 =	simm.s32 $0x0;
	[dreg:$0xd] =	wrdreg s25;
	s21 =	sadd.s32 $0xA0, s3  }
0x17: {  	s23 =	sadd.s32 s26, s7;
	s25 =	sadd.s32 $0x14FC00, s0;
	s26 =	simm.s32 $0x280  }
0x18: {  	s0 =	simm.s32 $0x100;
	s3 =	simm.s32 $0x180;
	s11 =	simm.s32 $0x2  }
.LBB2_1:
0x19: {  	s16 =	rddreg [dreg:$0x1]  }
0x1a: {  	[tilespmem:s26], [sflag:$0x5] =	stream.linear.gather [hbm4b:s16+s4], $0x2800, $0x38;
	[tilespmem:$0x19280] =	vst v63  }
0x1b: {  	_ =	swait.ge [sflag:s28], $0x2800  }
0x1c: {  	[sflag:s28] =	ssyncset.done $0x0  }
0x1d: {  	[sflag:s28] =	ssyncadd.s32 $0xFFFFD800  }
0x1e: {  	[tilespmem:s29], [sflag:$0x5] =	stream.linear.gather [hbm4b:s12+s4], $0x50, $0x38;
	[tilespmem:$0x19280] =	vst v63  }
0x1f: {  	_ =	swait.ge [sflag:s28], $0x50  }
0x20: {  	[sflag:s28] =	ssyncset.done $0x0  }
0x21: {  	[sflag:s28] =	ssyncadd.s32 $0xFFFFFFB0  }
0x22: {  	[spmem:s2] =	stream.indirect.scatter [tilespmem:s26], [sflag:$0x5], $0x80, s29, s30, $0xb8;
	[tilespmem:$0x19280] =	vst v63  }
0x23: {  	_ =	swait.ge [sflag:s28], $0x2800  }
0x24: {  	[sflag:s28] =	ssyncset.done $0x0  }
0x25: {  	s17 =	rddreg [dreg:$0x7];
	[sflag:s28] =	ssyncadd.s32 $0xFFFFD800  }
0x26: {  	[tilespmem:s29], [sflag:$0x5] =	stream.linear.gather [hbm4b:s17+s4], $0x50, $0x38;
	[tilespmem:$0x19280] =	vst v63  }
0x27: {  	_ =	swait.ge [sflag:s28], $0x50  }
0x28: {  	[sflag:s28] =	ssyncset.done $0x0  }
0x29: {  	[sflag:s28] =	ssyncadd.s32 $0xFFFFFFB0  }
0x2a: {  	[spmem:s2] =	stream.indirect.scatter [tilespmem:s26], [sflag:$0x5], $0x80, s29, s30, $0xb8;
	[tilespmem:$0x19280] =	vst v63  }
0x2b: {  	_ =	swait.ge [sflag:s28], $0x2800  }
0x2c: {  	[sflag:s28] =	ssyncset.done $0x0  }
0x2d: {  	s18 =	rddreg [dreg:$0x8];
	[sflag:s28] =	ssyncadd.s32 $0xFFFFD800  }
0x2e: {  	[tilespmem:s29], [sflag:$0x5] =	stream.linear.gather [hbm4b:s18+s4], $0x50, $0x38;
	[tilespmem:$0x19280] =	vst v63  }
0x2f: {  	_ =	swait.ge [sflag:s28], $0x50  }
0x30: {  	[sflag:s28] =	ssyncset.done $0x0  }
0x31: {  	[sflag:s28] =	ssyncadd.s32 $0xFFFFFFB0  }
0x32: {  	[spmem:s2] =	stream.indirect.scatter [tilespmem:s26], [sflag:$0x5], $0x80, s29, s30, $0xb8;
	[tilespmem:$0x19280] =	vst v63  }
0x33: {  	_ =	swait.ge [sflag:s28], $0x2800  }
0x34: {  	[sflag:s28] =	ssyncset.done $0x0  }
0x35: {  	s19 =	rddreg [dreg:$0x9];
	[sflag:s28] =	ssyncadd.s32 $0xFFFFD800  }
0x36: {  	[tilespmem:s29], [sflag:$0x5] =	stream.linear.gather [hbm4b:s19+s4], $0x50, $0x38;
	[tilespmem:$0x19280] =	vst v63  }
0x37: {  	_ =	swait.ge [sflag:s28], $0x50  }
0x38: {  	[sflag:s28] =	ssyncset.done $0x0  }
0x39: {  	[sflag:s28] =	ssyncadd.s32 $0xFFFFFFB0  }
0x3a: {  	[spmem:s2] =	stream.indirect.scatter [tilespmem:s26], [sflag:$0x5], $0x80, s29, s30, $0xb8;
	[tilespmem:$0x19280] =	vst v63  }
0x3b: {  	_ =	swait.ge [sflag:s28], $0x2800  }
0x3c: {  	[sflag:s28] =	ssyncset.done $0x0  }
0x3d: {  	s20 =	rddreg [dreg:$0xa];
	[sflag:s28] =	ssyncadd.s32 $0xFFFFD800  }
0x3e: {  	[tilespmem:s29], [sflag:$0x5] =	stream.linear.gather [hbm4b:s20+s4], $0x50, $0x38;
	[tilespmem:$0x19280] =	vst v63  }
0x3f: {  	_ =	swait.ge [sflag:s28], $0x50  }
0x40: {  	[sflag:s28] =	ssyncset.done $0x0  }
0x41: {  	[sflag:s28] =	ssyncadd.s32 $0xFFFFFFB0  }
0x42: {  	[spmem:s2] =	stream.indirect.scatter [tilespmem:s26], [sflag:$0x5], $0x80, s29, s30, $0xb8;
	[tilespmem:$0x19280] =	vst v63  }
0x43: {  	_ =	swait.ge [sflag:s28], $0x2800  }
0x44: {  	[sflag:s28] =	ssyncset.done $0x0  }
0x45: {  	s17 =	rddreg [dreg:$0xb];
	[sflag:s28] =	ssyncadd.s32 $0xFFFFD800  }
0x46: {  	[tilespmem:s29], [sflag:$0x5] =	stream.linear.gather [hbm4b:s17+s4], $0x50, $0x38;
	[tilespmem:$0x19280] =	vst v63  }
0x47: {  	_ =	swait.ge [sflag:s28], $0x50  }
0x48: {  	[sflag:s28] =	ssyncset.done $0x0  }
0x49: {  	[sflag:s28] =	ssyncadd.s32 $0xFFFFFFB0  }
0x4a: {  	[spmem:s2] =	stream.indirect.scatter [tilespmem:s26], [sflag:$0x5], $0x80, s29, s30, $0xb8;
	[tilespmem:$0x19280] =	vst v63  }
0x4b: {  	_ =	swait.ge [sflag:s28], $0x2800  }
0x4c: {  	[sflag:s28] =	ssyncset.done $0x0  }
0x4d: {  	s18 =	rddreg [dreg:$0xc];
	[sflag:s28] =	ssyncadd.s32 $0xFFFFD800  }
0x4e: {  	[tilespmem:s29], [sflag:$0x5] =	stream.linear.gather [hbm4b:s18+s4], $0x50, $0x38;
	[tilespmem:$0x19280] =	vst v63  }
0x4f: {  	_ =	swait.ge [sflag:s28], $0x50  }
0x50: {  	[sflag:s28] =	ssyncset.done $0x0  }
0x51: {  	[sflag:s28] =	ssyncadd.s32 $0xFFFFFFB0  }
0x52: {  	[spmem:s2] =	stream.indirect.scatter [tilespmem:s26], [sflag:$0x5], $0x80, s29, s30, $0xb8;
	[tilespmem:$0x19280] =	vst v63  }
0x53: {  	_ =	swait.ge [sflag:s28], $0x2800  }
0x54: {  	[sflag:s28] =	ssyncset.done $0x0  }
0x55: {  	s19 =	rddreg [dreg:$0xd];
	[sflag:s28] =	ssyncadd.s32 $0xFFFFD800  }
0x56: {  	[tilespmem:s29], [sflag:$0x5] =	stream.linear.gather [hbm4b:s19+s4], $0x50, $0x38;
	[tilespmem:$0x19280] =	vst v63  }
0x57: {  	_ =	swait.ge [sflag:s28], $0x50  }
0x58: {  	[sflag:s28] =	ssyncset.done $0x0  }
0x59: {  	[sflag:s28] =	ssyncadd.s32 $0xFFFFFFB0  }
0x5a: {  	[spmem:s2] =	stream.indirect.scatter [tilespmem:s26], [sflag:$0x5], $0x80, s29, s30, $0xb8;
	[tilespmem:$0x19280] =	vst v63  }
0x5b: {  	_ =	swait.ge [sflag:s28], $0x2800  }
0x5c: {  	[sflag:s28] =	ssyncset.done $0x0  }
0x5d: {  	[sflag:s28] =	ssyncadd.s32 $0xFFFFD800  }
0x5e: {  	[bflag:$0x0] =	sbarrier.arrive $0xFFFF  }
0x5f: {  	[tilespmem:s4], [sflag:$0x5] =	stream.linear.gather [hbm4b:s8+s4], $0x50, $0x38;
	[tilespmem:$0x19280] =	vst v63  }
0x60: {  	_ =	swait.ge [sflag:s28], $0x50  }
0x61: {  	[sflag:s28] =	ssyncset.done $0x0  }
0x62: {  	[sflag:s28] =	ssyncadd.s32 $0xFFFFFFB0  }
0x63: {  	[tilespmem:s31], [sflag:$0x5] =	stream.linear.gather [hbm4b:s9+s4], $0x50, $0x38;
	[tilespmem:$0x19280] =	vst v63  }
0x64: {  	_ =	swait.ge [sflag:s28], $0x50  }
0x65: {  	[sflag:s28] =	ssyncset.done $0x0  }
0x66: {  	[sflag:s28] =	ssyncadd.s32 $0xFFFFFFB0  }
0x67: {  	[tilespmem:s26], [sflag:$0x1] =	stream.indirect.gather [hbm4b:s5+s30], $0x80, s4, s30, $0xb8;
	[tilespmem:$0x19280] =	vst v63  }
0x68: {  	s20 =	rddreg [dreg:$0x4]  }
0x69: {  	[tilespmem:s0], [sflag:$0x5] =	stream.linear.gather [hbm4b:s20+s4], $0x50, $0x38;
	[tilespmem:$0x19280] =	vst v63  }
0x6a: {  	_ =	swait.ge [sflag:s28], $0x50  }
0x6b: {  	[sflag:s28] =	ssyncset.done $0x0  }
0x6c: {  	s17 =	rddreg [dreg:$0x5];
	[sflag:s28] =	ssyncadd.s32 $0xFFFFFFB0  }
0x6d: {  	[tilespmem:s3], [sflag:$0x5] =	stream.linear.gather [hbm4b:s17+s4], $0x50, $0x38;
	[tilespmem:$0x19280] =	vst v63  }
0x6e: {  	_ =	swait.ge [sflag:s28], $0x50  }
0x6f: {  	[sflag:s28] =	ssyncset.done $0x0  }
0x70: {  	[sflag:s28] =	ssyncadd.s32 $0xFFFFFFB0  }
0x71: {  	[tilespmem:s1], [sflag:$0x2] =	stream.indirect.gather [hbm4b:s5+s30], $0x80, s0, s30, $0xb8;
	[tilespmem:$0x19280] =	vst v63  }
0x72: {  	_ =	swait.ge [sflag:s10], $0x2800  }
0x73: {  	[sflag:s10] =	ssyncset.done $0x0  }
0x74: {  	[sflag:s10] =	ssyncadd.s32 $0xFFFFD800  }
0x75: {  	[spmem:s2] =	stream.indirect.scatter.add.f32 [tilespmem:s26], [sflag:$0x3], $0x80, s31, s30, $0xb8;
	[tilespmem:$0x19280] =	vst v63  }
0x76: {  	_ =	swait.ge [sflag:s11], $0x2800  }
0x77: {  	[sflag:s11] =	ssyncset.done $0x0  }
0x78: {  	[sflag:s11] =	ssyncadd.s32 $0xFFFFD800  }
0x79: {  	[spmem:s2] =	stream.indirect.scatter.add.f32 [tilespmem:s1], [sflag:$0x4], $0x80, s3, s30, $0xb8;
	[tilespmem:$0x19280] =	vst v63  }
0x7a: {  	_ =	swait.ge [sflag:s13], $0x2800  }
0x7b: {  	s18 =	sshrl.u32 s21, $0x3;
	[sflag:s13] =	ssyncset.done $0x0  }
0x7c: {  	s17 =	sadd.s32 s6, s18;
	[sflag:s13] =	ssyncadd.s32 $0xFFFFD800  }
0x7d: {  	[tilespmem:s4], [sflag:$0x5] =	stream.linear.gather [hbm4b:s17+s4], $0x50, $0x38;
	[tilespmem:$0x19280] =	vst v63  }
0x7e: {  	_ =	swait.ge [sflag:s28], $0x50  }
0x7f: {  	[sflag:s28] =	ssyncset.done $0x0  }
0x80: {  	s16 =	sadd.s32 s7, s18;
	[sflag:s28] =	ssyncadd.s32 $0xFFFFFFB0  }
0x81: {  	[tilespmem:s31], [sflag:$0x5] =	stream.linear.gather [hbm4b:s16+s4], $0x50, $0x38;
	[tilespmem:$0x19280] =	vst v63  }
0x82: {  	_ =	swait.ge [sflag:s28], $0x50  }
0x83: {  	[sflag:s28] =	ssyncset.done $0x0  }
0x84: {  	[sflag:s28] =	ssyncadd.s32 $0xFFFFFFB0  }
0x85: {  	[tilespmem:s26], [sflag:$0x1] =	stream.indirect.gather [hbm4b:s5+s30], $0x80, s4, s30, $0xb8;
	[tilespmem:$0x19280] =	vst v63  }
0x86: {  	_ =	swait.ge [sflag:s14], $0x2800  }
0x87: {  	[sflag:s14] =	ssyncset.done $0x0  }
0x88: {  	s19 =	sadd.s32 $0x0, s24;
	[sflag:s14] =	ssyncadd.s32 $0xFFFFD800  }
0x89: {  	[tilespmem:s0], [sflag:$0x5] =	stream.linear.gather [hbm4b:s19+s4], $0x50, $0x38;
	[tilespmem:$0x19280] =	vst v63  }
0x8a: {  	_ =	swait.ge [sflag:s28], $0x50  }
0x8b: {  	[sflag:s28] =	ssyncset.done $0x0  }
0x8c: {  	s20 =	sadd.s32 $0x0, s23;
	[sflag:s28] =	ssyncadd.s32 $0xFFFFFFB0  }
0x8d: {  	[tilespmem:s3], [sflag:$0x5] =	stream.linear.gather [hbm4b:s20+s4], $0x50, $0x38;
	[tilespmem:$0x19280] =	vst v63  }
0x8e: {  	_ =	swait.ge [sflag:s28], $0x50  }
0x8f: {  	[sflag:s28] =	ssyncset.done $0x0  }
0x90: {  	s17 =	sadd.s32 $0xA0, s21;
	s16 =	simm.s32 $0x14;
	[sflag:s28] =	ssyncadd.s32 $0xFFFFFFB0  }
.LBB2_2:
0x91: {  	[tilespmem:s1], [sflag:$0x2] =	stream.indirect.gather [hbm4b:s5+s30], $0x80, s0, s30, $0xb8;
	[tilespmem:$0x19280] =	vst v63  }
0x92: {  	s18 =	smov.u32 s16  }
0x93: {  	p0 =	sne.s32 s16, $0x99C;
	s16 =	sadd.s32 $0x14, s16;
	_ =	swait.ge [sflag:s10], $0x2800  }
0x94: {  	[sflag:s10] =	ssyncset.done $0x0  }
0x95: {  	[sflag:s10] =	ssyncadd.s32 $0xFFFFD800  }
0x96: {  	[spmem:s2] =	stream.indirect.scatter.add.f32 [tilespmem:s26], [sflag:$0x3], $0x80, s31, s30, $0xb8;
	[tilespmem:$0x19280] =	vst v63  }
0x97: {  	_ =	swait.ge [sflag:s11], $0x2800  }
0x98: {  	[sflag:s11] =	ssyncset.done $0x0  }
0x99: {  	[sflag:s11] =	ssyncadd.s32 $0xFFFFD800  }
0x9a: {  	[spmem:s2] =	stream.indirect.scatter.add.f32 [tilespmem:s1], [sflag:$0x4], $0x80, s3, s30, $0xb8;
	[tilespmem:$0x19280] =	vst v63  }
0x9b: {  	_ =	swait.ge [sflag:s13], $0x2800  }
0x9c: {  	s19 =	sshrl.u32 s17, $0x3;
	[sflag:s13] =	ssyncset.done $0x0  }
0x9d: {  	s20 =	sadd.s32 s6, s19;
	[sflag:s13] =	ssyncadd.s32 $0xFFFFD800  }
0x9e: {  	[tilespmem:s4], [sflag:$0x5] =	stream.linear.gather [hbm4b:s20+s4], $0x50, $0x38;
	[tilespmem:$0x19280] =	vst v63  }
0x9f: {  	_ =	swait.ge [sflag:s28], $0x50  }
0xa0: {  	[sflag:s28] =	ssyncset.done $0x0  }
0xa1: {  	s19 =	sadd.s32 s7, s19;
	[sflag:s28] =	ssyncadd.s32 $0xFFFFFFB0  }
0xa2: {  	[tilespmem:s31], [sflag:$0x5] =	stream.linear.gather [hbm4b:s19+s4], $0x50, $0x38;
	[tilespmem:$0x19280] =	vst v63  }
0xa3: {  	_ =	swait.ge [sflag:s28], $0x50  }
0xa4: {  	[sflag:s28] =	ssyncset.done $0x0  }
0xa5: {  	[sflag:s28] =	ssyncadd.s32 $0xFFFFFFB0  }
0xa6: {  	[tilespmem:s26], [sflag:$0x1] =	stream.indirect.gather [hbm4b:s5+s30], $0x80, s4, s30, $0xb8;
	[tilespmem:$0x19280] =	vst v63  }
0xa7: {  	_ =	swait.ge [sflag:s14], $0x2800  }
0xa8: {  	[sflag:s14] =	ssyncset.done $0x0  }
0xa9: {  	s19 =	sadd.s32 s18, s24;
	[sflag:s14] =	ssyncadd.s32 $0xFFFFD800  }
0xaa: {  	[tilespmem:s0], [sflag:$0x5] =	stream.linear.gather [hbm4b:s19+s4], $0x50, $0x38;
	[tilespmem:$0x19280] =	vst v63  }
0xab: {  	_ =	swait.ge [sflag:s28], $0x50  }
0xac: {  	[sflag:s28] =	ssyncset.done $0x0  }
.Ltmp0:
0xad: {  	s18 =	sadd.s32 s18, s23;
	[sflag:s28] =	ssyncadd.s32 $0xFFFFFFB0;
	(pc) =	sbr.rel @p0 .LBB2_2-.Ltmp0, $4  }
0xae: {  	[tilespmem:s3], [sflag:$0x5] =	stream.linear.gather [hbm4b:s18+s4], $0x50, $0x38;
	[tilespmem:$0x19280] =	vst v63  }
0xaf: {  	_ =	swait.ge [sflag:s28], $0x50  }
0xb0: {  	[sflag:s28] =	ssyncset.done $0x0  }
0xb1: {  	s17 =	sadd.s32 $0xA0, s17;
	[sflag:s28] =	ssyncadd.s32 $0xFFFFFFB0  }
0xb2: {  	[tilespmem:s1], [sflag:$0x2] =	stream.indirect.gather [hbm4b:s5+s30], $0x80, s0, s30, $0xb8;
	[tilespmem:$0x19280] =	vst v63  }
0xb3: {  	_ =	swait.ge [sflag:s10], $0x2800  }
0xb4: {  	[sflag:s10] =	ssyncset.done $0x0  }
0xb5: {  	[sflag:s10] =	ssyncadd.s32 $0xFFFFD800  }
0xb6: {  	[spmem:s2] =	stream.indirect.scatter.add.f32 [tilespmem:s26], [sflag:$0x3], $0x80, s31, s30, $0xb8;
	[tilespmem:$0x19280] =	vst v63  }
0xb7: {  	_ =	swait.ge [sflag:s11], $0x2800  }
0xb8: {  	[sflag:s11] =	ssyncset.done $0x0  }
0xb9: {  	[sflag:s11] =	ssyncadd.s32 $0xFFFFD800  }
0xba: {  	[spmem:s2] =	stream.indirect.scatter.add.f32 [tilespmem:s1], [sflag:$0x4], $0x80, s3, s30, $0xb8;
	[tilespmem:$0x19280] =	vst v63  }
0xbb: {  	_ =	swait.ge [sflag:s13], $0x2800  }
0xbc: {  	[sflag:s13] =	ssyncset.done $0x0  }
0xbd: {  	s16 =	simm.s32 $0x0;
	[sflag:s13] =	ssyncadd.s32 $0xFFFFD800  }
0xbe: {  	[tilespmem:s16], [sflag:$0x5] =	stream.linear.gather [hbm4b:s8+s16], $0x50, $0x38;
	[tilespmem:$0x19280] =	vst v63  }
0xbf: {  	_ =	swait.ge [sflag:s28], $0x50  }
0xc0: {  	[sflag:s28] =	ssyncset.done $0x0  }
0xc1: {  	[sflag:s28] =	ssyncadd.s32 $0xFFFFFFB0  }
0xc2: {  	[tilespmem:s31], [sflag:$0x5] =	stream.linear.gather [hbm4b:s9+s16], $0x50, $0x38;
	[tilespmem:$0x19280] =	vst v63  }
0xc3: {  	_ =	swait.ge [sflag:s28], $0x50  }
0xc4: {  	[sflag:s28] =	ssyncset.done $0x0  }
0xc5: {  	[sflag:s28] =	ssyncadd.s32 $0xFFFFFFB0  }
0xc6: {  	[tilespmem:s26], [sflag:$0x1] =	stream.indirect.gather [hbm4b:s5+s30], $0x80, s16, s30, $0xb8;
	[tilespmem:$0x19280] =	vst v63  }
0xc7: {  	_ =	swait.ge [sflag:s14], $0x2800  }
0xc8: {  	[sflag:s14] =	ssyncset.done $0x0  }
0xc9: {  	[sflag:s14] =	ssyncadd.s32 $0xFFFFD800  }
0xca: {  	[tilespmem:s0], [sflag:$0x5] =	stream.linear.gather [hbm4b:s8+s16], $0x50, $0x38;
	[tilespmem:$0x19280] =	vst v63  }
0xcb: {  	_ =	swait.ge [sflag:s28], $0x50  }
0xcc: {  	[sflag:s28] =	ssyncset.done $0x0  }
0xcd: {  	[sflag:s28] =	ssyncadd.s32 $0xFFFFFFB0  }
0xce: {  	[tilespmem:s3], [sflag:$0x5] =	stream.linear.gather [hbm4b:s9+s16], $0x50, $0x38;
	[tilespmem:$0x19280] =	vst v63  }
0xcf: {  	_ =	swait.ge [sflag:s28], $0x50  }
0xd0: {  	[sflag:s28] =	ssyncset.done $0x0  }
0xd1: {  	[sflag:s28] =	ssyncadd.s32 $0xFFFFFFB0  }
0xd2: {  	[tilespmem:s1], [sflag:$0x2] =	stream.indirect.gather [hbm4b:s5+s30], $0x80, s0, s30, $0xb8;
	[tilespmem:$0x19280] =	vst v63  }
0xd3: {  	_ =	swait.ge [sflag:s10], $0x2800  }
0xd4: {  	[sflag:s10] =	ssyncset.done $0x0  }
0xd5: {  	[sflag:s10] =	ssyncadd.s32 $0xFFFFD800  }
0xd6: {  	_ =	swait.ge [sflag:s11], $0x2800  }
0xd7: {  	[sflag:s11] =	ssyncset.done $0x0  }
0xd8: {  	[sflag:s11] =	ssyncadd.s32 $0xFFFFD800  }
0xd9: {  	s20 =	sadd.s32 $0x0, s22;
	[bflag:$0x0] =	sbarrier.arrive $0xFFFF  }
0xda: {  	[tilespmem:s29], [sflag:$0x5] =	stream.linear.gather [hbm4b:s20+s4], $0x50, $0x38;
	[tilespmem:$0x19280] =	vst v63  }
0xdb: {  	_ =	swait.ge [sflag:s28], $0x50  }
0xdc: {  	[sflag:s28] =	ssyncset.done $0x0  }
0xdd: {  	[sflag:s28] =	ssyncadd.s32 $0xFFFFFFB0  }
0xde: {  	[tilespmem:s26], [sflag:$0x5] =	stream.indirect.gather [spmem:s2], $0x80, s29, s30, $0xb8;
	[tilespmem:$0x19280] =	vst v63  }
0xdf: {  	_ =	swait.ge [sflag:s28], $0x2800  }
0xe0: {  	[sflag:s28] =	ssyncset.done $0x0  }
0xe1: {  	[sflag:s28] =	ssyncadd.s32 $0xFFFFD800  }
0xe2: {  	[hbm4b:s25+s4] =	stream.linear.scatter [tilespmem:s26], [sflag:$0x5], $0x2800, $0x38;
	[tilespmem:$0x19280] =	vst v63  }
0xe3: {  	s17 =	simm.s32 $0xA;
	_ =	swait.ge [sflag:s28], $0x2800  }
0xe4: {  	s18 =	simm.s32 $0x14;
	s16 =	sadd.s32 $0x500, s25;
	[sflag:s28] =	ssyncset.done $0x0  }
.LBB2_4:
0xe5: {  	s19 =	sadd.s32 s17, s22  }
0xe6: {  	[sflag:s28] =	ssyncadd.s32 $0xFFFFD800;
	s17 =	smov.u32 s18;
	s20 =	sadd.s32 $0xA, s18  }
0xe7: {  	[tilespmem:s29], [sflag:$0x5] =	stream.linear.gather [hbm4b:s19+s4], $0x50, $0x38;
	[tilespmem:$0x19280] =	vst v63  }
0xe8: {  	p0 =	sne.s32 s18, $0x46;
	_ =	swait.ge [sflag:s28], $0x50  }
0xe9: {  	[sflag:s28] =	ssyncset.done $0x0  }
0xea: {  	[sflag:s28] =	ssyncadd.s32 $0xFFFFFFB0  }
0xeb: {  	[tilespmem:s26], [sflag:$0x5] =	stream.indirect.gather [spmem:s2], $0x80, s29, s30, $0xb8;
	[tilespmem:$0x19280] =	vst v63  }
0xec: {  	_ =	swait.ge [sflag:s28], $0x2800  }
.Ltmp1:
0xed: {  	[sflag:s28] =	ssyncset.done $0x0;
	(pc) =	sbr.rel @p0 .LBB2_4-.Ltmp1, $4  }
0xee: {  	[sflag:s28] =	ssyncadd.s32 $0xFFFFD800  }
0xef: {  	[hbm4b:s16+s4] =	stream.linear.scatter [tilespmem:s26], [sflag:$0x5], $0x2800, $0x38;
	[tilespmem:$0x19280] =	vst v63  }
0xf0: {  	_ =	swait.ge [sflag:s28], $0x2800  }
0xf1: {  	s18 =	smov.u32 s20;
	s16 =	sadd.s32 $0x500, s16;
	[sflag:s28] =	ssyncset.done $0x0  }
0xf2: {  	s17 =	sadd.s32 s17, s22;
	[sflag:s28] =	ssyncadd.s32 $0xFFFFD800  }
0xf3: {  	[tilespmem:s29], [sflag:$0x5] =	stream.linear.gather [hbm4b:s17+s4], $0x50, $0x38;
	[tilespmem:$0x19280] =	vst v63  }
0xf4: {  	_ =	swait.ge [sflag:s28], $0x50  }
0xf5: {  	[sflag:s28] =	ssyncset.done $0x0  }
0xf6: {  	[sflag:s28] =	ssyncadd.s32 $0xFFFFFFB0  }
0xf7: {  	[tilespmem:s26], [sflag:$0x5] =	stream.indirect.gather [spmem:s2], $0x80, s29, s30, $0xb8;
	[tilespmem:$0x19280] =	vst v63  }
0xf8: {  	_ =	swait.ge [sflag:s28], $0x2800  }
0xf9: {  	[sflag:s28] =	ssyncset.done $0x0  }
0xfa: {  	[sflag:s28] =	ssyncadd.s32 $0xFFFFD800  }
0xfb: {  	[hbm4b:s16+s4] =	stream.linear.scatter [tilespmem:s26], [sflag:$0x5], $0x2800, $0x38;
	[tilespmem:$0x19280] =	vst v63  }
0xfc: {  	_ =	swait.ge [sflag:s28], $0x2800  }
0xfd: {  	s15 =	sadd.s32 $0x1, s15;
	s20 =	rddreg [dreg:$0x6]  }
0xfe: {  	p0 =	sne.s32 s15, s20  }
.Ltmp2:
0xff: {  	_ = 	snop;
	(pc) =	sbr.rel @p0 .LBB2_1-.Ltmp2, $3  }
0x100: {  	_ =	sdelay $0x1  }
0x101: {  	[sflag:s28] =	ssyncset.done $0x0  }
0x102: {  	[sflag:s28] =	ssyncadd.s32 $0xFFFFD800  }
0x103: {  	_ =	sfence.sel $0x180000  }
0x104: {  	[bflag:$0x0] =	sbarrier.arrive $0xFFFF  }
0x105: {  	_ =	strace $0x9000004D  }
0x106: {  	s0 =	stileid.u32;
	[bflag:$0x2] =	sbarrier.arrive $0xFFFF  }
0x107: {  	p0 =	sne.s32 s0, $0x0;
	s0 =	rddreg [dreg:$0x3]  }
0x108: {  	s0 =	sadd.s32 @!p0 $0x100000, s0  }
0x109: {  	[sflag:s0] =	ssyncadd.tile.s32 @!p0 $0x1;
	_ =	shalt  }
.Lfunc_end2:
_tile_overlayer_lowered:
.L_overlay_start_2:
0x10a: {  	(tag) =	ssettag $0x2  }
0x10b: {  	s0 =	rddreg [dreg:$0x0];
	s2 =	stileid.u32  }
0x10c: {  	s1 =	rddreg [dreg:$0x1];
	p0 =	sne.s32 s2, $0x0  }
0x10d: {  	s3 =	rddreg [dreg:$0x2];
	[bflag:$0x3] =	sbarrier.arrive $0xFFFF;
	s2 =	simm.s32 @!p0 $0x1C05  }
0x10e: {  	[timem:s3], [sflag:s2] =	dma.local @!p0 [hbm:s0], s1  }
0x10f: {  	s0 =	simm.s32 @!p0 $0x5  }
0x110: {  	_ =	swait.ge @!p0 [sflag:s0], s1  }
0x111: {  	s1 =	ssub.s32 @!p0 $0x0, s1;
	[sflag:s0] =	ssyncset.done @!p0 $0x0  }
0x112: {  	[sflag:s0] =	ssyncadd.s32 @!p0 s1  }
0x113: {  	[bflag:$0x3] =	sbarrier.arrive $0xFFFF  }
0x114: {  	_ =	shalt  }

// kernel: kernel.8.cloned.1.call-start
scs
__scs_entry_jumppad:
0x0: {  	(pc) =	sbr.rel $0x88, $3  }
0x1: {  	(tag) =	ssettag $0x0;
	lr =	simm.s32 $0x1  }
0x2: {  	[smem:$0x3F8D] =	sst lr;
	_ =	strace $0xD0000000  }
0x3: {  	_ = 	snop  }
0x4: {  	_ = 	snop  }
0x5: {  	_ = 	snop  }
0x6: {  	_ = 	snop  }
0x7: {  	_ = 	snop  }
__scs_overlays_trampoline_lowered:
0x8: {  	[smem:$0x3F9C] =	sst s0  }
0x9: {  	[smem:$0x3F9D] =	sst s1  }
0xa: {  	[smem:$0x3F9E] =	sst s2  }
0xb: {  	[smem:$0x3F9F] =	sst s3  }
0xc: {  	[smem:$0x3FA0] =	sst s4  }
0xd: {  	[smem:$0x3FA1] =	sst s5  }
0xe: {  	[smem:$0x3FA2] =	sst s6  }
0xf: {  	[smem:$0x3FA3] =	sst s7  }
0x10: {  	[smem:$0x3FA4] =	sst s8  }
0x11: {  	[smem:$0x3FA5] =	sst s9;
	s0 =	simm.s32 @!p0 $0x0  }
0x12: {  	s1 =	sld [smem:$0x3F8B];
	s0 =	simm.s32 @p0 $0x1  }
0x13: {  	[smem:$0x3FA6] =	sst s0;
	s0 =	simm.s32 @!p1 $0x0  }
0x14: {  	s2 =	sld [smem:$0x3F8A];
	s0 =	simm.s32 @p1 $0x1  }
0x15: {  	[smem:$0x3FA7] =	sst s0;
	s0 =	simm.s32 @!p2 $0x0  }
0x16: {  	s3 =	sld [smem:$0x3FDB];
	s0 =	simm.s32 @p2 $0x1  }
0x17: {  	s4 =	simm.s32 $0x1BF5;
	[smem:$0x3FA9] =	sst s0  }
0x18: {  	s0 =	sld [smem:$0x3F8C];
	_ =	swait.ge [sflag:s4], $0x0  }
0x19: {  	s7 =	sld [smem:$0x3F8D]  }
0x1a: {  	s8 =	sadd.s32 $0xFFFFE003, lr  }
0x1b: {  	s9 =	sadd.s32 $0xFFFFFEF7, lr;
	s5 =	simm.s32 $0xFFFFFFFF;
	p2 =	slt.u32 s8, $0xFFFFF086  }
0x1c: {  	p1 =	slt.u32 s9, $0xF7A;
	s5 =	simm.s32 @!p2 $0x0  }
0x1d: {  	s5 =	simm.s32 @p1 $0x1;
	p0 =	seq.s32 s7, s2  }
0x1e: {  	s7 =	smul.u32 @!p0 $0xF7A, s2;
	p2 =	seq.s32 @!p0 s5, $0x0  }
0x1f: {  	s9 =	smul.u32 $0xF7A, s1;
	s8 =	simm.s32 @!p0 $0x1BF5;
	p2 =	por !p2, p0  }
0x20: {  	[sflag:s8] =	ssyncset.s32 @!p0 $0xFFFFF086;
	s6 =	sadd.s32 @!p0 s3, s7;
	s7 =	simm.s32 @!p0 $0x108  }
0x21: {  	s3 =	sadd.s32 s3, s9;
	s6 =	sadd.s32 @!p0 $0x88, s6;
	s7 =	simm.s32 @p2 $0x1082  }
0x22: {  	[simem:s7], [sflag:s8] =	dma.local @!p0 [hbm:s6], $0xF7A  }
0x23: {  	s9 =	sor.u32 $0xD0000000, s2;
	s6 =	simm.s32 $0x108;
	_ =	swait.ge @!p0 [sflag:s8], $0x0  }
0x24: {  	s3 =	sadd.s32 $0x88, s3;
	s6 =	simm.s32 @!p1 $0x1082;
	[sflag:s4] =	ssyncset.s32 $0xFFFFF086  }
0x25: {  	[simem:s6], [sflag:s4] =	dma.local [hbm:s3], $0xF7A  }
0x26: {  	[smem:$0x3F8D] =	sst s1;
	(tag) =	ssettag s2;
	_ =	strace s9  }
0x27: {  	s1 =	sld [smem:$0x3F9D]  }
0x28: {  	s2 =	sld [smem:$0x3F9E]  }
0x29: {  	s4 =	sld [smem:$0x3FA0]  }
0x2a: {  	p0 =	seq.s32 s5, $0x0;
	s5 =	sld [smem:$0x3FA1]  }
0x2b: {  	s6 =	sld [smem:$0x3FA2]  }
0x2c: {  	s7 =	sld [smem:$0x3FA3]  }
0x2d: {  	s3 =	simm.s32 $0x108;
	s8 =	sld [smem:$0x3FA4]  }
0x2e: {  	s3 =	simm.s32 @!p0 $0x1082;
	s9 =	sld [smem:$0x3FA5]  }
0x2f: {  	lr =	sadd.s32 s0, s3;
	s0 =	sld [smem:$0x3F9C]  }
0x30: {  	s3 =	sld [smem:$0x3F9F]  }
0x31: {  	[smem:$0x3FA8] =	sst s10  }
0x32: {  	s10 =	sld [smem:$0x3FA6];
	_ =	sdelay $0x3  }
0x33: {  	p0 =	seq.s32 s10, $0x1;
	s10 =	sld [smem:$0x3FA8];
	_ =	sdelay $0x3  }
0x34: {  	[smem:$0x3FA8] =	sst s10  }
0x35: {  	s10 =	sld [smem:$0x3FA7];
	_ =	sdelay $0x3  }
0x36: {  	p1 =	seq.s32 s10, $0x1;
	s10 =	sld [smem:$0x3FA8];
	_ =	sdelay $0x3  }
0x37: {  	[smem:$0x3FA8] =	sst s10  }
0x38: {  	s10 =	sld [smem:$0x3FA9]  }
0x39: {  	_ = 	snop;
	(pc) =	sbr.ind lr, $3  }
0x3a: {  	_ = 	snop  }
0x3b: {  	_ = 	snop  }
0x3c: {  	p2 =	seq.s32 s10, $0x1;
	s10 =	sld [smem:$0x3FA8]  }
0x3d: {  	_ =	shalt  }
0x3e: {  	_ =	shalt  }
0x3f: {  	_ =	shalt  }
0x40: {  	_ =	shalt  }
0x41: {  	_ =	shalt  }
0x42: {  	_ =	shalt  }
0x43: {  	_ =	shalt  }
0x44: {  	_ =	shalt  }
0x45: {  	_ =	shalt  }
0x46: {  	_ =	shalt  }
0x47: {  	_ =	shalt  }
0x48: {  	_ =	shalt  }
0x49: {  	_ =	shalt  }
0x4a: {  	_ =	shalt  }
0x4b: {  	_ =	shalt  }
0x4c: {  	_ =	shalt  }
0x4d: {  	_ =	shalt  }
0x4e: {  	_ =	shalt  }
0x4f: {  	_ =	shalt  }
0x50: {  	_ =	shalt  }
0x51: {  	_ =	shalt  }
0x52: {  	_ =	shalt  }
0x53: {  	_ =	shalt  }
0x54: {  	_ =	shalt  }
0x55: {  	_ =	shalt  }
0x56: {  	_ =	shalt  }
0x57: {  	_ =	shalt  }
0x58: {  	_ =	shalt  }
0x59: {  	_ =	shalt  }
0x5a: {  	_ =	shalt  }
0x5b: {  	_ =	shalt  }
0x5c: {  	_ =	shalt  }
0x5d: {  	_ =	shalt  }
0x5e: {  	_ =	shalt  }
0x5f: {  	_ =	shalt  }
0x60: {  	_ =	shalt  }
0x61: {  	_ =	shalt  }
0x62: {  	_ =	shalt  }
0x63: {  	_ =	shalt  }
0x64: {  	_ =	shalt  }
0x65: {  	_ =	shalt  }
0x66: {  	_ =	shalt  }
0x67: {  	_ =	shalt  }
0x68: {  	_ =	shalt  }
0x69: {  	_ =	shalt  }
0x6a: {  	_ =	shalt  }
0x6b: {  	_ =	shalt  }
0x6c: {  	_ =	shalt  }
0x6d: {  	_ =	shalt  }
0x6e: {  	_ =	shalt  }
0x6f: {  	_ =	shalt  }
0x70: {  	_ =	shalt  }
0x71: {  	_ =	shalt  }
0x72: {  	_ =	shalt  }
0x73: {  	_ =	shalt  }
0x74: {  	_ =	shalt  }
0x75: {  	_ =	shalt  }
0x76: {  	_ =	shalt  }
0x77: {  	_ =	shalt  }
0x78: {  	_ =	shalt  }
0x79: {  	_ =	shalt  }
0x7a: {  	_ =	shalt  }
0x7b: {  	_ =	shalt  }
0x7c: {  	_ =	shalt  }
0x7d: {  	_ =	shalt  }
0x7e: {  	_ =	shalt  }
0x7f: {  	_ =	shalt  }
0x80: {  	_ =	shalt  }
0x81: {  	_ =	shalt  }
0x82: {  	_ =	shalt  }
0x83: {  	_ =	shalt  }
0x84: {  	_ =	shalt  }
0x85: {  	_ =	shalt  }
0x86: {  	_ =	shalt  }
0x87: {  	_ =	shalt  }
.Lfunc_end0:
.L_simem_size_0:
called_computation_lowered:
.L_overlay_start_0:
0x88: {  	s2 =	sld [smem:$0x3FD9]  }
0x89: {  	s3 =	sld [smem:$0x3FFE];
	_ =	sdelay $0x1  }
0x8a: {  	s1 =	srdreg.scid  }
0x8b: {  	s0 =	sand.u32 $0x1, s1  }
0x8c: {  	s17 =	sshll.u32 s0, $0xA;
	s2 =	sadd.s32 s3, s2  }
0x8d: {  	s2 =	sadd.s32 s2, s17  }
0x8e: {  	[smem:$0x3FB4] =	sst s2  }
0x8f: {  	_ = 	snop  }
0x90: {  	s18 =	sld [smem:$0x3FD0];
	(tm) =	ssettm $0x1  }
0x91: {  	s19 =	sld [smem:$0x3FFB];
	_ =	sdelay $0x3  }
0x92: {  	_ =	strace s19  }
0x93: {  	s2 =	sld [smem:$0x3FFC];
	_ =	sdelay $0x3  }
0x94: {  	_ =	strace s2  }
0x95: {  	s2 =	sld [smem:$0x3FFD];
	_ =	sdelay $0x3  }
0x96: {  	_ =	strace s2  }
0x97: {  	_ =	strace $0x8FFFFFFF  }
0x98: {  	s20 =	sld [smem:$0x3FDB];
	_ =	sdelay $0x1  }
0x99: {  	s4 =	simm.s32 $_scs_section_size  }
0x9a: {  	s5 =	simm.s32 $_size__tile_overlayer_lowered;
	s6 =	simm.s32 $_tile_overlayer_lowered  }
0x9b: {  	s7 =	simm.s32 $0x1BFF;
	s21 =	sshll.u32 s6, $0x1;
	s4 =	sadd.s32 s4, s20  }
0x9c: {  	s22 =	simm.s32 $0x0;
	s5 =	sshll.u32 s5, $0x1;
	s6 =	sadd.s32 s21, s4  }
0x9d: {  	[timem:s22], [sflag:s7] =	dma.local [hbm:s6], s5  }
0x9e: {  	_ =	swait.ge [sflag:s7], s5  }
0x9f: {  	s5 =	ssub.s32 $0x0, s5;
	[sflag:s7] =	ssyncset.done $0x0  }
0xa0: {  	[sflag:s7] =	ssyncadd.s32 s5;
	_ =	sdelay $0x1  }
0xa1: {  	s23 =	simm.s32 $0x1B8B  }
0xa2: {  	_ =	swait.ge [sflag:s23], $0x1  }
0xa3: {  	[sflag:s23] =	ssyncset.done $0x0  }
0xa4: {  	[sflag:s23] =	ssyncadd.s32 $0xFFFFFFFF  }
0xa5: {  	s5 =	sld [smem:$0x0]  }
0xa6: {  	s6 =	sand.u32 $0xFFFFFFFE, s1  }
0xa7: {  	p0 =	sne.s32 s1, s6  }
0xa8: {  	s6 =	sshll.u32 @p0 s6, $0xE  }
0xa9: {  	s6 =	sadd.s32 @p0 $0x11B8D, s6;
	s7 =	sshll.u32 @p0 s5, $0x11  }
0xaa: {  	s6 =	sor.u32 @p0 s7, s6  }
0xab: {  	[sflag:s6] =	ssyncadd.remote.s32 @p0 $0x1;
	_ =	sdelay $0x1  }
0xac: {  	s6 =	simm.s32 @p0 $0x1B8D  }
0xad: {  	_ =	swait.eq @p0 [sflag:s6], $0x1  }
0xae: {  	[sflag:s6] =	ssyncadd.s32 @p0 $0xFFFFFFFF  }
0xaf: {  	s7 =	sshll.u32 @!p0 s1, $0xE  }
0xb0: {  	s7 =	sor.u32 @!p0 $0x4000, s7;
	s6 =	simm.s32 @!p0 $0x1B8D  }
0xb1: {  	s5 =	sshll.u32 @!p0 s5, $0x11;
	s7 =	sadd.s32 @!p0 $0x11B8D, s7;
	_ =	swait.eq @!p0 [sflag:s6], $0x1  }
0xb2: {  	s5 =	sor.u32 @!p0 s5, s7;
	[sflag:s6] =	ssyncadd.s32 @!p0 $0xFFFFFFFF  }
0xb3: {  	s25 =	simm.s32 $0x1B8E;
	s24 =	sld [smem:$0x3FFE];
	[sflag:s5] =	ssyncadd.remote.s32 @!p0 $0x1  }
0xb4: {  	s26 =	simm.s32 $execute0_lowered;
	[smem:$0x3FD2] =	sst s25  }
0xb5: {  	s6 =	sshll.u32 s26, $0x1;
	_ =	strace $0x80000049;
	[dreg:$0x1] =	wrdreg $0xFFFFFFFF  }
0xb6: {  	s28 =	simm.s32 $_size_execute0_lowered;
	s4 =	sadd.s32 s4, s6;
	[dreg:$0x0] =	wrdreg $0x0  }
0xb7: {  	s6 =	sshll.u32 s28, $0x1;
	[dreg:$0x2] =	wrdreg s4  }
0xb8: {  	[dreg:$0x3] =	wrdreg s6  }
0xb9: {  	[dreg:$0x4] =	wrdreg $0xC0  }
0xba: {  	_ =	task [dreg:s22], $0x5FFFF  }
0xbb: {  	[dreg:$0x1] =	wrdreg $0xFFFFFFFF  }
0xbc: {  	[dreg:$0x0] =	wrdreg $0x60  }
0xbd: {  	[dreg:$0x2] =	wrdreg s24  }
0xbe: {  	[dreg:$0x3] =	wrdreg s18  }
0xbf: {  	[dreg:$0x4] =	wrdreg $0x29800  }
0xc0: {  	[dreg:$0x5] =	wrdreg $0x9  }
0xc1: {  	_ =	task.clear_ibuf [dreg:s22], $0x6FFFF;
	_ =	strace $0x90000049  }
0xc2: {  	s29 =	simm.s32 $0x9;
	_ =	strace $0x8000004B  }
0xc3: {  	_ =	swait.ge [sflag:s29], $0x1  }
0xc4: {  	[sflag:s29] =	ssyncadd.s32 $0xFFFFFFFF  }
0xc5: {  	_ =	strace $0x9000004B  }
0xc6: {  	_ =	sfence  }
0xc7: {  	s30 =	sld [smem:$0x0];
	_ =	sdelay $0x2  }
0xc8: {  	s31 =	sshll.u32 s1, $0xD;
	s1 =	sshrl.u32 s1, $0x2  }
0xc9: {  	s4 =	sand.u32 $0x4000, s31;
	s1 =	sadd.s32 s1, s30  }
0xca: {  	s0 =	sor.u32 s4, s0;
	s1 =	sshll.u32 s1, $0x11  }
0xcb: {  	s0 =	sor.u32 s1, s0  }
0xcc: {  	s0 =	sadd.s32 $0x8F2B, s0  }
0xcd: {  	[sflag:s0] =	ssyncadd.remote.s32 $0x1  }
0xce: {  	_ =	sfence.sel $0xFFFF  }
0xcf: {  	[dreg:$0x0] =	wrdreg $0xFFFFFFFF;
	(pc) =	sbr.abs _section_cstart, $3  }
0xd0: {  	[dreg:$0x1] =	wrdreg $0xFFFFFFFF  }
0xd1: {  	_ =	task.clear_ibuf [dreg:s22], $0x2FFFF;
	_ =	strace $0x9FFFFFFF  }
0xd2: {  	(tm) =	ssettm $0x7FFFFFFF  }
0xd3: {  	_ =	shalt  }
tec
execute0_lowered:
.L_overlay_start_1:
0x0: {  	(tag) =	ssettag $0x1  }
0x1: {  	s0 =	rddreg [dreg:$0x0]  }
0x2: {  	s2 =	rddreg [dreg:$0x2];
	s3 =	srdreg.scid  }
0x3: {  	s4 =	simm.s32 $0x0;
	s1 =	stileid.u32;
	s22 =	simm.s32 $0x180  }
0x4: {  	s23 =	simm.s32 $0x3;
	s28 =	simm.s32 $0x1;
	s8 =	smul.u32 $0x280, s1  }
0x5: {  	s29 =	simm.s32 $0x2;
	s30 =	simm.s32 $0x0;
	s10 =	smul.u32 $0x4E20, s1  }
0x6: {  	s3 =	sand.u32 $0x1, s3;
	[smem:$0x7FF] =	sst s4;
	s31 =	smul.u32 $0x2800, s1  }
0x7: {  	s5 =	sadd.s32 $0x78600, s0;
	s6 =	sadd.s32 $0xDC600, s0;
	s21 =	smul.u32 $0x50, s1  }
0x8: {  	s17 =	sadd.s32 $0x8C000, s0;
	s7 =	smul.u32 $0x28000, s3;
	_ =	strace $0x8000004A  }
0x9: {  	s9 =	smul.u32 $0x4E200, s3;
	[dreg:$0x4] =	wrdreg s6;
	s24 =	ssub.s32 $0x2, s3  }
0xa: {  	s3 =	sshrl.u32 s24, $0x1;
	s25 =	sshrl.u32 s8, $0x3;
	s21 =	sadd.s32 s21, s17  }
0xb: {  	s18 =	sadd.s32 s7, s0;
	s19 =	sadd.s32 s10, s9;
	s0 =	ssub.s32 s24, s3  }
0xc: {  	s7 =	sadd.s32 s17, s25;
	s24 =	simm.s32 $0x100;
	s25 =	simm.s32 $0x50  }
0xd: {  	s26 =	sshrl.u32 s19, $0x3;
	s9 =	smax.u32 s0, $0x1;
	s10 =	sadd.s32 $0xA, s7  }
0xe: {  	s11 =	sadd.s32 $0x14, s7;
	s12 =	sadd.s32 $0x1E, s7;
	s13 =	sadd.s32 $0x28, s7  }
0xf: {  	s14 =	sadd.s32 $0x32, s7;
	s15 =	sadd.s32 $0x3C, s7;
	s16 =	sadd.s32 $0x46, s7  }
0x10: {  	s0 =	sadd.s32 $0xA0, s19;
	s19 =	sadd.s32 $0x50, s19;
	s3 =	sadd.s32 s31, s18  }
0x11: {  	s8 =	sadd.s32 s5, s26;
	s19 =	sshrl.u32 s19, $0x3;
	s20 =	sadd.s32 $0xDCC00, s3  }
0x12: {  	s26 =	simm.s32 $0x80;
	s18 =	sadd.s32 $0x9BA, s8;
	s19 =	sadd.s32 s19, s5  }
.LBB2_1:
0x13: {  	s1 =	rddreg [dreg:$0x1]  }
0x14: {  	[tilespmem:s22], [sflag:$0x3] =	stream.linear.gather [hbm4b:s1+s4], $0x2800, $0x38;
	[tilespmem:$0x16980] =	vst v63  }
0x15: {  	_ =	swait.ge [sflag:s23], $0x2800  }
0x16: {  	[sflag:s23] =	ssyncset.done $0x0  }
0x17: {  	[sflag:s23] =	ssyncadd.s32 $0xFFFFD800  }
0x18: {  	[tilespmem:s24], [sflag:$0x3] =	stream.linear.gather [hbm4b:s7+s4], $0x50, $0x38;
	[tilespmem:$0x16980] =	vst v63  }
0x19: {  	_ =	swait.ge [sflag:s23], $0x50  }
0x1a: {  	[sflag:s23] =	ssyncset.done $0x0  }
0x1b: {  	[sflag:s23] =	ssyncadd.s32 $0xFFFFFFB0  }
0x1c: {  	[spmem:s2] =	stream.indirect.scatter [tilespmem:s22], [sflag:$0x3], $0x80, s24, s25, $0xb8;
	[tilespmem:$0x16980] =	vst v63  }
0x1d: {  	_ =	swait.ge [sflag:s23], $0x2800  }
0x1e: {  	[sflag:s23] =	ssyncset.done $0x0  }
0x1f: {  	[sflag:s23] =	ssyncadd.s32 $0xFFFFD800  }
0x20: {  	[tilespmem:s24], [sflag:$0x3] =	stream.linear.gather [hbm4b:s10+s4], $0x50, $0x38;
	[tilespmem:$0x16980] =	vst v63  }
0x21: {  	_ =	swait.ge [sflag:s23], $0x50  }
0x22: {  	[sflag:s23] =	ssyncset.done $0x0  }
0x23: {  	[sflag:s23] =	ssyncadd.s32 $0xFFFFFFB0  }
0x24: {  	[spmem:s2] =	stream.indirect.scatter [tilespmem:s22], [sflag:$0x3], $0x80, s24, s25, $0xb8;
	[tilespmem:$0x16980] =	vst v63  }
0x25: {  	_ =	swait.ge [sflag:s23], $0x2800  }
0x26: {  	[sflag:s23] =	ssyncset.done $0x0  }
0x27: {  	[sflag:s23] =	ssyncadd.s32 $0xFFFFD800  }
0x28: {  	[tilespmem:s24], [sflag:$0x3] =	stream.linear.gather [hbm4b:s11+s4], $0x50, $0x38;
	[tilespmem:$0x16980] =	vst v63  }
0x29: {  	_ =	swait.ge [sflag:s23], $0x50  }
0x2a: {  	[sflag:s23] =	ssyncset.done $0x0  }
0x2b: {  	[sflag:s23] =	ssyncadd.s32 $0xFFFFFFB0  }
0x2c: {  	[spmem:s2] =	stream.indirect.scatter [tilespmem:s22], [sflag:$0x3], $0x80, s24, s25, $0xb8;
	[tilespmem:$0x16980] =	vst v63  }
0x2d: {  	_ =	swait.ge [sflag:s23], $0x2800  }
0x2e: {  	[sflag:s23] =	ssyncset.done $0x0  }
0x2f: {  	[sflag:s23] =	ssyncadd.s32 $0xFFFFD800  }
0x30: {  	[tilespmem:s24], [sflag:$0x3] =	stream.linear.gather [hbm4b:s12+s4], $0x50, $0x38;
	[tilespmem:$0x16980] =	vst v63  }
0x31: {  	_ =	swait.ge [sflag:s23], $0x50  }
0x32: {  	[sflag:s23] =	ssyncset.done $0x0  }
0x33: {  	[sflag:s23] =	ssyncadd.s32 $0xFFFFFFB0  }
0x34: {  	[spmem:s2] =	stream.indirect.scatter [tilespmem:s22], [sflag:$0x3], $0x80, s24, s25, $0xb8;
	[tilespmem:$0x16980] =	vst v63  }
0x35: {  	_ =	swait.ge [sflag:s23], $0x2800  }
0x36: {  	[sflag:s23] =	ssyncset.done $0x0  }
0x37: {  	[sflag:s23] =	ssyncadd.s32 $0xFFFFD800  }
0x38: {  	[tilespmem:s24], [sflag:$0x3] =	stream.linear.gather [hbm4b:s13+s4], $0x50, $0x38;
	[tilespmem:$0x16980] =	vst v63  }
0x39: {  	_ =	swait.ge [sflag:s23], $0x50  }
0x3a: {  	[sflag:s23] =	ssyncset.done $0x0  }
0x3b: {  	[sflag:s23] =	ssyncadd.s32 $0xFFFFFFB0  }
0x3c: {  	[spmem:s2] =	stream.indirect.scatter [tilespmem:s22], [sflag:$0x3], $0x80, s24, s25, $0xb8;
	[tilespmem:$0x16980] =	vst v63  }
0x3d: {  	_ =	swait.ge [sflag:s23], $0x2800  }
0x3e: {  	[sflag:s23] =	ssyncset.done $0x0  }
0x3f: {  	[sflag:s23] =	ssyncadd.s32 $0xFFFFD800  }
0x40: {  	[tilespmem:s24], [sflag:$0x3] =	stream.linear.gather [hbm4b:s14+s4], $0x50, $0x38;
	[tilespmem:$0x16980] =	vst v63  }
0x41: {  	_ =	swait.ge [sflag:s23], $0x50  }
0x42: {  	[sflag:s23] =	ssyncset.done $0x0  }
0x43: {  	[sflag:s23] =	ssyncadd.s32 $0xFFFFFFB0  }
0x44: {  	[spmem:s2] =	stream.indirect.scatter [tilespmem:s22], [sflag:$0x3], $0x80, s24, s25, $0xb8;
	[tilespmem:$0x16980] =	vst v63  }
0x45: {  	_ =	swait.ge [sflag:s23], $0x2800  }
0x46: {  	[sflag:s23] =	ssyncset.done $0x0  }
0x47: {  	[sflag:s23] =	ssyncadd.s32 $0xFFFFD800  }
0x48: {  	[tilespmem:s24], [sflag:$0x3] =	stream.linear.gather [hbm4b:s15+s4], $0x50, $0x38;
	[tilespmem:$0x16980] =	vst v63  }
0x49: {  	_ =	swait.ge [sflag:s23], $0x50  }
0x4a: {  	[sflag:s23] =	ssyncset.done $0x0  }
0x4b: {  	[sflag:s23] =	ssyncadd.s32 $0xFFFFFFB0  }
0x4c: {  	[spmem:s2] =	stream.indirect.scatter [tilespmem:s22], [sflag:$0x3], $0x80, s24, s25, $0xb8;
	[tilespmem:$0x16980] =	vst v63  }
0x4d: {  	_ =	swait.ge [sflag:s23], $0x2800  }
0x4e: {  	[sflag:s23] =	ssyncset.done $0x0  }
0x4f: {  	[sflag:s23] =	ssyncadd.s32 $0xFFFFD800  }
0x50: {  	[tilespmem:s24], [sflag:$0x3] =	stream.linear.gather [hbm4b:s16+s4], $0x50, $0x38;
	[tilespmem:$0x16980] =	vst v63  }
0x51: {  	_ =	swait.ge [sflag:s23], $0x50  }
0x52: {  	[sflag:s23] =	ssyncset.done $0x0  }
0x53: {  	[sflag:s23] =	ssyncadd.s32 $0xFFFFFFB0  }
0x54: {  	[spmem:s2] =	stream.indirect.scatter [tilespmem:s22], [sflag:$0x3], $0x80, s24, s25, $0xb8;
	[tilespmem:$0x16980] =	vst v63  }
0x55: {  	_ =	swait.ge [sflag:s23], $0x2800  }
0x56: {  	[sflag:s23] =	ssyncset.done $0x0  }
0x57: {  	s6 =	rddreg [dreg:$0x4];
	[sflag:s23] =	ssyncadd.s32 $0xFFFFD800  }
0x58: {  	[tilespmem:s22], [sflag:$0x3] =	stream.linear.gather [hbm4b:s6+s4], $0x2800, $0x38;
	[tilespmem:$0x16980] =	vst v63  }
0x59: {  	_ =	swait.ge [sflag:s23], $0x2800  }
0x5a: {  	[sflag:s23] =	ssyncset.done $0x0  }
0x5b: {  	[sflag:s23] =	ssyncadd.s32 $0xFFFFD800  }
0x5c: {  	[bflag:$0x0] =	sbarrier.arrive $0xFFFF  }
0x5d: {  	[tilespmem:s4], [sflag:$0x3] =	stream.linear.gather [hbm4b:s8+s4], $0x50, $0x38;
	[tilespmem:$0x16980] =	vst v63  }
0x5e: {  	_ =	swait.ge [sflag:s23], $0x50  }
0x5f: {  	[sflag:s23] =	ssyncset.done $0x0  }
0x60: {  	[sflag:s23] =	ssyncadd.s32 $0xFFFFFFB0  }
0x61: {  	[spmem:s2] =	stream.indirect.scatter.add.f32 [tilespmem:s22], [sflag:$0x1], $0x80, s4, s25, $0xb8;
	[tilespmem:$0x16980] =	vst v63  }
0x62: {  	s3 =	sadd.s32 $0x0, s19  }
0x63: {  	[tilespmem:s26], [sflag:$0x3] =	stream.linear.gather [hbm4b:s3+s4], $0x50, $0x38;
	[tilespmem:$0x16980] =	vst v63  }
0x64: {  	_ =	swait.ge [sflag:s23], $0x50  }
0x65: {  	[sflag:s23] =	ssyncset.done $0x0  }
0x66: {  	[sflag:s23] =	ssyncadd.s32 $0xFFFFFFB0  }
0x67: {  	_ =	swait.ge [sflag:s28], $0x2800  }
0x68: {  	[sflag:s28] =	ssyncset.done $0x0  }
0x69: {  	s17 =	sshrl.u32 s0, $0x3;
	[sflag:s28] =	ssyncadd.s32 $0xFFFFD800  }
0x6a: {  	[spmem:s2] =	stream.indirect.scatter.add.f32 [tilespmem:s22], [sflag:$0x2], $0x80, s26, s25, $0xb8;
	[tilespmem:$0x16980] =	vst v63  }
0x6b: {  	s3 =	sadd.s32 s5, s17  }
0x6c: {  	[tilespmem:s4], [sflag:$0x3] =	stream.linear.gather [hbm4b:s3+s4], $0x50, $0x38;
	[tilespmem:$0x16980] =	vst v63  }
0x6d: {  	_ =	swait.ge [sflag:s23], $0x50  }
0x6e: {  	[sflag:s23] =	ssyncset.done $0x0  }
0x6f: {  	[sflag:s23] =	ssyncadd.s32 $0xFFFFFFB0  }
0x70: {  	_ =	swait.ge [sflag:s29], $0x2800  }
0x71: {  	s31 =	simm.s32 $0x14;
	s17 =	smov.u32 s0;
	[sflag:s29] =	ssyncset.done $0x0  }
.LBB2_2:
0x72: {  	p0 =	sne.s32 s31, $0x99C;
	[sflag:s29] =	ssyncadd.s32 $0xFFFFD800;
	s17 =	sadd.s32 $0xA0, s17  }
0x73: {  	[spmem:s2] =	stream.indirect.scatter.add.f32 [tilespmem:s22], [sflag:$0x1], $0x80, s4, s25, $0xb8;
	[tilespmem:$0x16980] =	vst v63  }
0x74: {  	s3 =	sadd.s32 s31, s19;
	s31 =	sadd.s32 $0x14, s31  }
0x75: {  	[tilespmem:s26], [sflag:$0x3] =	stream.linear.gather [hbm4b:s3+s4], $0x50, $0x38;
	[tilespmem:$0x16980] =	vst v63  }
0x76: {  	_ =	swait.ge [sflag:s23], $0x50  }
0x77: {  	[sflag:s23] =	ssyncset.done $0x0  }
0x78: {  	[sflag:s23] =	ssyncadd.s32 $0xFFFFFFB0  }
0x79: {  	_ =	swait.ge [sflag:s28], $0x2800  }
0x7a: {  	[sflag:s28] =	ssyncset.done $0x0  }
0x7b: {  	s3 =	sshrl.u32 s17, $0x3;
	[sflag:s28] =	ssyncadd.s32 $0xFFFFD800  }
0x7c: {  	[spmem:s2] =	stream.indirect.scatter.add.f32 [tilespmem:s22], [sflag:$0x2], $0x80, s26, s25, $0xb8;
	[tilespmem:$0x16980] =	vst v63  }
0x7d: {  	s3 =	sadd.s32 s5, s3  }
0x7e: {  	[tilespmem:s4], [sflag:$0x3] =	stream.linear.gather [hbm4b:s3+s4], $0x50, $0x38;
	[tilespmem:$0x16980] =	vst v63  }
.Ltmp0:
0x7f: {  	_ =	swait.ge [sflag:s23], $0x50;
	(pc) =	sbr.rel @p0 .LBB2_2-.Ltmp0, $4  }
0x80: {  	[sflag:s23] =	ssyncset.done $0x0  }
0x81: {  	[sflag:s23] =	ssyncadd.s32 $0xFFFFFFB0  }
0x82: {  	_ =	swait.ge [sflag:s29], $0x2800  }
0x83: {  	[sflag:s29] =	ssyncset.done $0x0  }
0x84: {  	[sflag:s29] =	ssyncadd.s32 $0xFFFFD800;
	s3 =	simm.s32 $0x0  }
0x85: {  	[spmem:s2] =	stream.indirect.scatter.add.f32 [tilespmem:s22], [sflag:$0x1], $0x80, s3, s25, $0xb8;
	[tilespmem:$0x16980] =	vst v63  }
0x86: {  	_ = 	snop  }
0x87: {  	[tilespmem:s26], [sflag:$0x3] =	stream.linear.gather [hbm4b:s18+s3], $0x50, $0x38;
	[tilespmem:$0x16980] =	vst v63  }
0x88: {  	_ =	swait.ge [sflag:s23], $0x50  }
0x89: {  	[sflag:s23] =	ssyncset.done $0x0  }
0x8a: {  	[sflag:s23] =	ssyncadd.s32 $0xFFFFFFB0  }
0x8b: {  	_ =	swait.ge [sflag:s28], $0x2800  }
0x8c: {  	[sflag:s28] =	ssyncset.done $0x0  }
0x8d: {  	[sflag:s28] =	ssyncadd.s32 $0xFFFFD800  }
0x8e: {  	[spmem:s2] =	stream.indirect.scatter.add.f32 [tilespmem:s22], [sflag:$0x2], $0x80, s26, s25, $0xb8;
	[tilespmem:$0x16980] =	vst v63  }
0x8f: {  	_ = 	snop  }
0x90: {  	[tilespmem:s3], [sflag:$0x3] =	stream.linear.gather [hbm4b:s8+s3], $0x50, $0x38;
	[tilespmem:$0x16980] =	vst v63  }
0x91: {  	_ =	swait.ge [sflag:s23], $0x50  }
0x92: {  	[sflag:s23] =	ssyncset.done $0x0  }
0x93: {  	[sflag:s23] =	ssyncadd.s32 $0xFFFFFFB0  }
0x94: {  	_ =	swait.ge [sflag:s29], $0x2800  }
0x95: {  	[sflag:s29] =	ssyncset.done $0x0  }
0x96: {  	[sflag:s29] =	ssyncadd.s32 $0xFFFFD800  }
0x97: {  	s17 =	sadd.s32 $0x0, s21;
	[bflag:$0x0] =	sbarrier.arrive $0xFFFF  }
0x98: {  	[tilespmem:s24], [sflag:$0x3] =	stream.linear.gather [hbm4b:s17+s4], $0x50, $0x38;
	[tilespmem:$0x16980] =	vst v63  }
0x99: {  	_ =	swait.ge [sflag:s23], $0x50  }
0x9a: {  	[sflag:s23] =	ssyncset.done $0x0  }
0x9b: {  	[sflag:s23] =	ssyncadd.s32 $0xFFFFFFB0  }
0x9c: {  	[tilespmem:s22], [sflag:$0x3] =	stream.indirect.gather [spmem:s2], $0x80, s24, s25, $0xb8;
	[tilespmem:$0x16980] =	vst v63  }
0x9d: {  	_ =	swait.ge [sflag:s23], $0x2800  }
0x9e: {  	[sflag:s23] =	ssyncset.done $0x0  }
0x9f: {  	[sflag:s23] =	ssyncadd.s32 $0xFFFFD800  }
0xa0: {  	[hbm4b:s20+s4] =	stream.linear.scatter [tilespmem:s22], [sflag:$0x3], $0x2800, $0x38;
	[tilespmem:$0x16980] =	vst v63  }
0xa1: {  	s31 =	sadd.s32 $0x500, s20;
	_ =	swait.ge [sflag:s23], $0x2800  }
0xa2: {  	s3 =	simm.s32 $0x14;
	s17 =	simm.s32 $0xA;
	[sflag:s23] =	ssyncset.done $0x0  }
.LBB2_4:
0xa3: {  	s1 =	sadd.s32 s17, s21  }
0xa4: {  	[sflag:s23] =	ssyncadd.s32 $0xFFFFD800;
	s17 =	smov.u32 s3;
	s6 =	sadd.s32 $0xA, s3  }
0xa5: {  	[tilespmem:s24], [sflag:$0x3] =	stream.linear.gather [hbm4b:s1+s4], $0x50, $0x38;
	[tilespmem:$0x16980] =	vst v63  }
0xa6: {  	p0 =	sne.s32 s3, $0x46;
	_ =	swait.ge [sflag:s23], $0x50  }
0xa7: {  	[sflag:s23] =	ssyncset.done $0x0  }
0xa8: {  	[sflag:s23] =	ssyncadd.s32 $0xFFFFFFB0  }
0xa9: {  	[tilespmem:s22], [sflag:$0x3] =	stream.indirect.gather [spmem:s2], $0x80, s24, s25, $0xb8;
	[tilespmem:$0x16980] =	vst v63  }
0xaa: {  	_ =	swait.ge [sflag:s23], $0x2800  }
.Ltmp1:
0xab: {  	[sflag:s23] =	ssyncset.done $0x0;
	(pc) =	sbr.rel @p0 .LBB2_4-.Ltmp1, $4  }
0xac: {  	[sflag:s23] =	ssyncadd.s32 $0xFFFFD800  }
0xad: {  	[hbm4b:s31+s4] =	stream.linear.scatter [tilespmem:s22], [sflag:$0x3], $0x2800, $0x38;
	[tilespmem:$0x16980] =	vst v63  }
0xae: {  	_ =	swait.ge [sflag:s23], $0x2800  }
0xaf: {  	s3 =	smov.u32 s6;
	s31 =	sadd.s32 $0x500, s31;
	[sflag:s23] =	ssyncset.done $0x0  }
0xb0: {  	s1 =	sadd.s32 s17, s21;
	[sflag:s23] =	ssyncadd.s32 $0xFFFFD800  }
0xb1: {  	[tilespmem:s24], [sflag:$0x3] =	stream.linear.gather [hbm4b:s1+s4], $0x50, $0x38;
	[tilespmem:$0x16980] =	vst v63  }
0xb2: {  	_ =	swait.ge [sflag:s23], $0x50  }
0xb3: {  	[sflag:s23] =	ssyncset.done $0x0  }
0xb4: {  	[sflag:s23] =	ssyncadd.s32 $0xFFFFFFB0  }
0xb5: {  	[tilespmem:s22], [sflag:$0x3] =	stream.indirect.gather [spmem:s2], $0x80, s24, s25, $0xb8;
	[tilespmem:$0x16980] =	vst v63  }
0xb6: {  	s30 =	sadd.s32 $0x1, s30;
	_ =	swait.ge [sflag:s23], $0x2800  }
0xb7: {  	p0 =	sne.s32 s30, s9;
	[sflag:s23] =	ssyncset.done $0x0  }
.Ltmp2:
0xb8: {  	[sflag:s23] =	ssyncadd.s32 $0xFFFFD800;
	(pc) =	sbr.rel @p0 .LBB2_1-.Ltmp2, $4  }
0xb9: {  	[hbm4b:s31+s4] =	stream.linear.scatter [tilespmem:s22], [sflag:$0x3], $0x2800, $0x38;
	[tilespmem:$0x16980] =	vst v63  }
0xba: {  	_ =	swait.ge [sflag:s23], $0x2800  }
0xbb: {  	[sflag:s23] =	ssyncset.done $0x0  }
0xbc: {  	[sflag:s23] =	ssyncadd.s32 $0xFFFFD800  }
0xbd: {  	_ =	sfence.sel $0x180000  }
0xbe: {  	[bflag:$0x0] =	sbarrier.arrive $0xFFFF  }
0xbf: {  	_ =	strace $0x9000004A  }
0xc0: {  	s0 =	stileid.u32;
	[bflag:$0x2] =	sbarrier.arrive $0xFFFF  }
0xc1: {  	p0 =	sne.s32 s0, $0x0;
	s0 =	rddreg [dreg:$0x3]  }
0xc2: {  	s0 =	sadd.s32 @!p0 $0x100000, s0  }
0xc3: {  	[sflag:s0] =	ssyncadd.tile.s32 @!p0 $0x1;
	_ =	shalt  }
.Lfunc_end2:
_tile_overlayer_lowered:
.L_overlay_start_2:
0xc4: {  	(tag) =	ssettag $0x2  }
0xc5: {  	s0 =	rddreg [dreg:$0x0];
	s2 =	stileid.u32  }
0xc6: {  	s1 =	rddreg [dreg:$0x1];
	p0 =	sne.s32 s2, $0x0  }
0xc7: {  	s3 =	rddreg [dreg:$0x2];
	[bflag:$0x3] =	sbarrier.arrive $0xFFFF;
	s2 =	simm.s32 @!p0 $0x1C03  }
0xc8: {  	[timem:s3], [sflag:s2] =	dma.local @!p0 [hbm:s0], s1  }
0xc9: {  	s0 =	simm.s32 @!p0 $0x3  }
0xca: {  	_ =	swait.ge @!p0 [sflag:s0], s1  }
0xcb: {  	s1 =	ssub.s32 @!p0 $0x0, s1;
	[sflag:s0] =	ssyncset.done @!p0 $0x0  }
0xcc: {  	[sflag:s0] =	ssyncadd.s32 @!p0 s1  }
0xcd: {  	[bflag:$0x3] =	sbarrier.arrive $0xFFFF  }
0xce: {  	_ =	shalt  }

</sc_bundles>
